<compile_context>
chip_gen: v7x
topology: tpu7x:2x2x1
jax: 0.10.2.dev20260603
libtpu: 0.0.44.dev20260713+nightly
codegen_flags: <defaults>
</compile_context>

<pallas_src>
import functools

import jax
import jax.numpy as jnp
from jax import lax
from jax.experimental import pallas as pl
from jax.experimental.pallas import tpu as pltpu
from jax.experimental.pallas import tpu_sc as plsc

N_USERS = 1000000
N_ITEMS = 100000
HIDDEN = 64
BATCH = 16384
FEAT_BITS = 17

NC = 2
NS = 16
NW = NC * NS
BPW = BATCH // NW
CHUNK = 128
NCHUNK = BPW // CHUNK

U1ROWS = (N_USERS + 127) // 128
I1ROWS = (N_ITEMS + 127) // 128

UHALF = N_USERS // 2
IHALF = N_ITEMS // 2

RLB = 5000


def _tc_relayout(W2, n_half):
    grid = (n_half // RLB,)
    nblocks = n_half // RLB

    def body(a_ref, b_ref, out_ref):
        out_ref[:, :HIDDEN] = a_ref[...]
        out_ref[:, HIDDEN:] = b_ref[...]

    return pl.pallas_call(
        body,
        grid=grid,
        in_specs=[
            pl.BlockSpec((RLB, HIDDEN), lambda i: (i, 0)),
            pl.BlockSpec((RLB, HIDDEN), lambda i: (i + nblocks, 0)),
        ],
        out_specs=pl.BlockSpec((RLB, 128), lambda i: (i, 0)),
        out_shape=jax.ShapeDtypeStruct((n_half, 128), jnp.float32),
        compiler_params=pltpu.CompilerParams(
            dimension_semantics=("parallel",)),
    )(W2, W2)


def _sc_gather_n(tables, indices, label):
    n = len(tables)
    mesh = plsc.VectorSubcoreMesh(core_axis_name="c", subcore_axis_name="s")
    row_t = jax.ShapeDtypeStruct((BATCH, 128), jnp.float32)

    @functools.partial(
        pl.kernel,
        mesh=mesh,
        out_type=(row_t,) * n,
        scratch_types=[pltpu.VMEM((BPW,), jnp.int32)] * n
          + [pltpu.VMEM((CHUNK, 128), jnp.float32)] * 4
          + [pltpu.SemaphoreType.DMA] * 8,
        name=label,
        compiler_params=pltpu.CompilerParams(skip_device_barrier=True),
    )
    def k(*refs):
        tbl_hbm = refs[:n]
        idx_hbm = refs[n:2 * n]
        out_hbm = refs[2 * n:3 * n]
        idx_v = refs[3 * n:4 * n]
        bufs = refs[4 * n:4 * n + 4]
        gsems = refs[4 * n + 4:4 * n + 8]
        wsems = refs[4 * n + 8:4 * n + 12]
        wid = lax.axis_index("s") * NC + lax.axis_index("c")
        base = wid * BPW
        for t in range(n):
            pltpu.sync_copy(idx_hbm[t].at[pl.ds(base, BPW)], idx_v[t])

        streams = [(tbl_hbm[t], idx_v[t], out_hbm[t]) for t in range(n)]
        descs = [(streams[t], c) for c in range(NCHUNK) for t in range(n)]
        nd = len(descs)

        def fire_gather(kk, b):
            (tbl, idxr, _), c = descs[kk]
            return pltpu.async_copy(
                tbl.at[idxr.at[pl.ds(c * CHUNK, CHUNK)]], bufs[b], gsems[b])

        def fire_write(kk, b):
            (_, _, outr), c = descs[kk]
            return pltpu.async_copy(
                bufs[b], outr.at[pl.ds(base + c * CHUNK, CHUNK)], wsems[b])

        nb = min(4, nd)
        gc = [None] * nb
        wc = [None] * nb
        for kk in range(nb):
            gc[kk] = fire_gather(kk, kk)
        for kk in range(nd):
            b = kk % nb
            gc[b].wait()
            wc[b] = fire_write(kk, b)
            if kk + nb < nd:
                wc[b].wait()
                gc[b] = fire_gather(kk + nb, b)
        for kk in range(nd - nb, nd):
            wc[kk % nb].wait()

    return k(*tables, *indices)


def _tc_body(ui_ref, ii_ref, f0_ref, f1_ref, u2_ref, i2_ref, g1u_ref, g1i_ref,
             w2f0_ref, w2f1_ref, w1f_ref, bias_ref, out_ref):
    j = lax.broadcasted_iota(jnp.int32, (1, 128), 1)
    mask = jnp.where(j < FEAT_BITS,
                     jnp.left_shift(1, jnp.maximum(FEAT_BITS - 1 - j, 0)), 0)
    bits0 = (jnp.bitwise_and(f0_ref[...], mask) != 0).astype(jnp.float32)
    bits1 = (jnp.bitwise_and(f1_ref[...], mask) != 0).astype(jnp.float32)
    s0 = jnp.sum(bits0, axis=1, keepdims=True)
    s1 = jnp.sum(bits1, axis=1, keepdims=True)

    w1f = w1f_ref[...]
    fo0 = jnp.sum(bits0 * w1f[0:1, :], axis=1, keepdims=True) / s0
    fo1 = jnp.sum(bits1 * w1f[1:2, :], axis=1, keepdims=True) / s1

    e0 = jnp.dot(bits0, w2f0_ref[...],
                 preferred_element_type=jnp.float32,
                 precision=lax.Precision.HIGHEST) / s0
    e1 = jnp.dot(bits1, w2f1_ref[...],
                 preferred_element_type=jnp.float32,
                 precision=lax.Precision.HIGHEST) / s1

    ui = ui_ref[...]
    ii = ii_ref[...]

    w1u = jnp.sum(g1u_ref[...] * (jnp.bitwise_and(ui, 127) == j),
                  axis=1, keepdims=True)
    w1i = jnp.sum(g1i_ref[...] * (jnp.bitwise_and(ii, 127) == j),
                  axis=1, keepdims=True)

    urow = u2_ref[...]
    irow = i2_ref[...]
    u2 = jnp.where(jnp.bitwise_and(ui, 1) == 0,
                   urow[:, :HIDDEN], urow[:, HIDDEN:])
    i2 = jnp.where(jnp.bitwise_and(ii, 1) == 0,
                   irow[:, :HIDDEN], irow[:, HIDDEN:])

    ssum = u2 + i2 + e0 + e1
    diff = ssum * ssum - (u2 * u2 + i2 * i2 + e0 * e0 + e1 * e1)
    second = 0.5 * jnp.sum(diff, axis=1, keepdims=True)

    out_ref[...] = bias_ref[0, 0] + w1u + w1i + fo0 + fo1 + second


BB = 2048


def _tc_combine(ui, ii, f0, f1, u2, i2, g1u, g1i, W2f0p, W2f1p, w1f, bias2):
    grid = (BATCH // BB,)
    bspec = lambda bs: pl.BlockSpec(bs, lambda i: (i, 0))
    wspec = lambda bs: pl.BlockSpec(bs, lambda i: (0, 0))
    return pl.pallas_call(
        _tc_body,
        grid=grid,
        in_specs=[
            bspec((BB, 1)), bspec((BB, 1)), bspec((BB, 1)), bspec((BB, 1)),
            bspec((BB, 128)), bspec((BB, 128)),
            bspec((BB, 128)), bspec((BB, 128)),
            wspec((128, HIDDEN)), wspec((128, HIDDEN)),
            wspec((2, 128)), wspec((1, 1)),
        ],
        out_specs=bspec((BB, 1)),
        out_shape=jax.ShapeDtypeStruct((BATCH, 1), jnp.float32),
    )(ui, ii, f0, f1, u2, i2, g1u, g1i, W2f0p, W2f1p, w1f, bias2)


def kernel(x, bias, W1u, W1i, W1f0, W1f1, W2u, W2i, W2f0, W2f1):
    uidx = x[:, 0]
    iidx = x[:, 1]
    uw = uidx // 128
    iw = iidx // 128
    ur = uidx // 2
    ir = iidx // 2

    W1up = jnp.concatenate(
        [W1u.reshape(-1), jnp.zeros((U1ROWS * 128 - N_USERS,), jnp.float32)]
    ).reshape(U1ROWS, 128)
    W1ip = jnp.concatenate(
        [W1i.reshape(-1), jnp.zeros((I1ROWS * 128 - N_ITEMS,), jnp.float32)]
    ).reshape(I1ROWS, 128)

    W2u128 = W2u.reshape(UHALF, 128)
    W2i128 = W2i.reshape(IHALF, 128)

    i2, g1u, g1i = _sc_gather_n(
        (W2i128, W1up, W1ip), (ir, uw, iw), "sc_small_gather")
    (u2,) = _sc_gather_n((W2u128,), (ur,), "sc_u_gather")

    pad = jnp.zeros((128 - FEAT_BITS, HIDDEN), jnp.float32)
    W2f0p = jnp.concatenate([W2f0, pad], axis=0)
    W2f1p = jnp.concatenate([W2f1, pad], axis=0)
    wpad = jnp.zeros((1, 128 - FEAT_BITS), jnp.float32)
    w1f = jnp.concatenate([
        jnp.concatenate([W1f0.T, wpad], axis=1),
        jnp.concatenate([W1f1.T, wpad], axis=1),
    ], axis=0)

    out = _tc_combine(
        x[:, 0:1], x[:, 1:2], x[:, 2:3], x[:, 3:4],
        u2, i2, g1u, g1i, W2f0p, W2f1p, w1f, bias.reshape(1, 1),
    )
    return out[:, 0]

# --- scband reference (transcript-rebuilt; emitter-appended) ---
"""Pipeline reference for scband-fm-60335700574876 (READ-ONLY COPY).

The authoritative reference and input builder live on the scoring server;
editing this copy changes nothing except your own understanding.
"""

import jax, jax.numpy as jnp
import numpy as np

N_USERS = 1000000
N_ITEMS = 100000
HIDDEN = 64
FEAT_DIM = (17, 17)
BATCH = 16384


def binary(x, bits):
    mask = (2 ** jnp.arange(bits - 1, -1, -1)).astype(x.dtype)
    out = (jnp.bitwise_and(x[:, None], mask) != 0).astype(jnp.float32)
    s = jnp.sum(out, axis=1, keepdims=True)
    return out / s


def xavier(k, shape):
    fan_in, fan_out = shape[0], shape[1]
    lim = (6.0 / (fan_in + fan_out)) ** 0.5
    return jax.random.uniform(k, shape, minval=-lim, maxval=lim, dtype=jnp.float32)


def setup_inputs(seed: int = 0):
    key = jax.random.key(seed)
    ks = jax.random.split(key, 12)
    u = jax.random.randint(ks[0], (BATCH, 1), 1, N_USERS, dtype=jnp.int32)
    it = jax.random.randint(ks[1], (BATCH, 1), 1, N_ITEMS, dtype=jnp.int32)
    f0 = jax.random.randint(ks[2], (BATCH, 1), 1, 2 ** FEAT_DIM[0], dtype=jnp.int32)
    f1 = jax.random.randint(ks[3], (BATCH, 1), 1, 2 ** FEAT_DIM[1], dtype=jnp.int32)
    x = jnp.concatenate([u, it, f0, f1], axis=1)
    return {
        "x": x,
        "bias": jnp.zeros((1,), jnp.float32),
        "W1u": xavier(ks[4], (N_USERS, 1)),
        "W1i": xavier(ks[5], (N_ITEMS, 1)),
        "W1f0": xavier(ks[6], (FEAT_DIM[0], 1)),
        "W1f1": xavier(ks[7], (FEAT_DIM[1], 1)),
        "W2u": xavier(ks[8], (N_USERS, HIDDEN)),
        "W2i": xavier(ks[9], (N_ITEMS, HIDDEN)),
        "W2f0": xavier(ks[10], (FEAT_DIM[0], HIDDEN)),
        "W2f1": xavier(ks[11], (FEAT_DIM[1], HIDDEN)),
    }


def reference(x, bias, W1u, W1i, W1f0, W1f1, W2u, W2i, W2f0, W2f1):
    b0 = binary(x[:, 2], FEAT_DIM[0])
    b1 = binary(x[:, 3], FEAT_DIM[1])
    # first-order terms
    user_x = jnp.take(W1u, x[:, 0], axis=0)
    item_x = jnp.take(W1i, x[:, 1], axis=0)
    feat_x = jnp.concatenate([b0 @ W1f0, b1 @ W1f1], axis=1)
    first_x = jnp.sum(jnp.concatenate([user_x, item_x, feat_x], axis=1), axis=1, keepdims=True)
    out = bias + first_x
    # second-order FM interaction
    u2 = jnp.take(W2u, x[:, 0], axis=0)[:, None, :]
    i2 = jnp.take(W2i, x[:, 1], axis=0)[:, None, :]
    f2 = jnp.concatenate([(b0 @ W2f0)[:, None, :], (b1 @ W2f1)[:, None, :]], axis=1)
    second_emb = jnp.concatenate([u2, i2, f2], axis=1)
    square_of_sum = jnp.sum(second_emb, axis=1) ** 2
    sum_of_square = jnp.sum(second_emb ** 2, axis=1)
    second_x = 0.5 * jnp.sum(square_of_sum - sum_of_square, axis=1, keepdims=True)
    return jnp.squeeze(out + second_x, axis=1)

if __name__ == "__main__":
    import jax
    _d = setup_inputs()
    print(jax.jit(kernel)(*tuple(_d.values())))

</pallas_src>

<mosaic_0001>
#map = affine_map<(d0, d1) -> (0, 0)>
#map1 = affine_map<(d0, d1) -> (0)>
module attributes {stable_mosaic.version = 14 : i64} {
  func.func @sc_small_gather(%arg0: i32, %arg1: i32, %arg2: memref<50000x128xf32, #tpu.memory_space<hbm>>, %arg3: memref<7813x128xf32, #tpu.memory_space<hbm>>, %arg4: memref<782x128xf32, #tpu.memory_space<hbm>>, %arg5: memref<16384xi32, #tpu.memory_space<hbm>>, %arg6: memref<16384xi32, #tpu.memory_space<hbm>>, %arg7: memref<16384xi32, #tpu.memory_space<hbm>>, %arg8: memref<16384x128xf32, #tpu.memory_space<hbm>>, %arg9: memref<16384x128xf32, #tpu.memory_space<hbm>>, %arg10: memref<16384x128xf32, #tpu.memory_space<hbm>>, %arg11: memref<512xi32, #tpu.memory_space<vmem>>, %arg12: memref<512xi32, #tpu.memory_space<vmem>>, %arg13: memref<512xi32, #tpu.memory_space<vmem>>, %arg14: memref<128x128xf32, #tpu.memory_space<vmem>>, %arg15: memref<128x128xf32, #tpu.memory_space<vmem>>, %arg16: memref<128x128xf32, #tpu.memory_space<vmem>>, %arg17: memref<128x128xf32, #tpu.memory_space<vmem>>, %arg18: memref<!tpu.dma_semaphore, #tpu.memory_space<semaphore_mem>>, %arg19: memref<!tpu.dma_semaphore, #tpu.memory_space<semaphore_mem>>, %arg20: memref<!tpu.dma_semaphore, #tpu.memory_space<semaphore_mem>>, %arg21: memref<!tpu.dma_semaphore, #tpu.memory_space<semaphore_mem>>, %arg22: memref<!tpu.dma_semaphore, #tpu.memory_space<semaphore_mem>>, %arg23: memref<!tpu.dma_semaphore, #tpu.memory_space<semaphore_mem>>, %arg24: memref<!tpu.dma_semaphore, #tpu.memory_space<semaphore_mem>>, %arg25: memref<!tpu.dma_semaphore, #tpu.memory_space<semaphore_mem>>) attributes {dimension_semantics = [#tpu.dimension_semantics<core_parallel>, #tpu.dimension_semantics<subcore_parallel>], iteration_bounds = array<i64: 2, 16>, scalar_prefetch = 0 : i64, scratch_operands = 15 : i64, tpu.core_type = #tpu.core_type<sc_vector_subcore>, window_params = [{transform_indices = #map}, {transform_indices = #map}, {transform_indices = #map}, {transform_indices = #map1}, {transform_indices = #map1}, {transform_indices = #map1}, {transform_indices = #map}, {transform_indices = #map}, {transform_indices = #map}]} {
    %mul3A = arith.constant 2 : i32
    %mul3A_0 = arith.muli %arg1, %mul3A : i32
    %add3A = arith.addi %mul3A_0, %arg0 : i32
    %mul3A_1 = arith.constant 512 : i32
    %mul3A_2 = arith.muli %add3A, %mul3A_1 : i32
    "tpu.region"() ({
      %run_scoped3A = tpu.sem_alloc : memref<!tpu.dma_semaphore, #tpu.memory_space<semaphore_mem>>
      %dma_start3A_241 = tpu.memref_slice %arg5[%mul3A_2] : memref<16384xi32, #tpu.memory_space<hbm>> -> memref<512xi32, #tpu.memory_space<hbm>>
      %dma_start3A_242 = tpu.memref_slice %arg5[%mul3A_2] : memref<16384xi32, #tpu.memory_space<hbm>> -> memref<512xi32, #tpu.memory_space<hbm>>
      tpu.enqueue_dma source(%dma_start3A_242 : memref<512xi32, #tpu.memory_space<hbm>>) target(%arg11 : memref<512xi32, #tpu.memory_space<vmem>>) target_semaphore(%run_scoped3A : memref<!tpu.dma_semaphore, #tpu.memory_space<semaphore_mem>>)
      %dma_wait3A_243 = tpu.memref_slice %arg5[%mul3A_2] : memref<16384xi32, #tpu.memory_space<hbm>> -> memref<512xi32, #tpu.memory_space<hbm>>
      %dma_wait3A_244 = tpu.memref_slice %arg5[%mul3A_2] : memref<16384xi32, #tpu.memory_space<hbm>> -> memref<512xi32, #tpu.memory_space<hbm>>
      tpu.wait_dma2 semaphore(%run_scoped3A : memref<!tpu.dma_semaphore, #tpu.memory_space<semaphore_mem>>) src(%dma_wait3A_244 : memref<512xi32, #tpu.memory_space<hbm>>) dst(%arg11 : memref<512xi32, #tpu.memory_space<vmem>>)
      tpu.yield
    }) : () -> ()
    "tpu.region"() ({
      %run_scoped3A = tpu.sem_alloc : memref<!tpu.dma_semaphore, #tpu.memory_space<semaphore_mem>>
      %dma_start3A_241 = tpu.memref_slice %arg6[%mul3A_2] : memref<16384xi32, #tpu.memory_space<hbm>> -> memref<512xi32, #tpu.memory_space<hbm>>
      %dma_start3A_242 = tpu.memref_slice %arg6[%mul3A_2] : memref<16384xi32, #tpu.memory_space<hbm>> -> memref<512xi32, #tpu.memory_space<hbm>>
      tpu.enqueue_dma source(%dma_start3A_242 : memref<512xi32, #tpu.memory_space<hbm>>) target(%arg12 : memref<512xi32, #tpu.memory_space<vmem>>) target_semaphore(%run_scoped3A : memref<!tpu.dma_semaphore, #tpu.memory_space<semaphore_mem>>)
      %dma_wait3A_243 = tpu.memref_slice %arg6[%mul3A_2] : memref<16384xi32, #tpu.memory_space<hbm>> -> memref<512xi32, #tpu.memory_space<hbm>>
      %dma_wait3A_244 = tpu.memref_slice %arg6[%mul3A_2] : memref<16384xi32, #tpu.memory_space<hbm>> -> memref<512xi32, #tpu.memory_space<hbm>>
      tpu.wait_dma2 semaphore(%run_scoped3A : memref<!tpu.dma_semaphore, #tpu.memory_space<semaphore_mem>>) src(%dma_wait3A_244 : memref<512xi32, #tpu.memory_space<hbm>>) dst(%arg12 : memref<512xi32, #tpu.memory_space<vmem>>)
      tpu.yield
    }) : () -> ()
    "tpu.region"() ({
      %run_scoped3A = tpu.sem_alloc : memref<!tpu.dma_semaphore, #tpu.memory_space<semaphore_mem>>
      %dma_start3A_241 = tpu.memref_slice %arg7[%mul3A_2] : memref<16384xi32, #tpu.memory_space<hbm>> -> memref<512xi32, #tpu.memory_space<hbm>>
      %dma_start3A_242 = tpu.memref_slice %arg7[%mul3A_2] : memref<16384xi32, #tpu.memory_space<hbm>> -> memref<512xi32, #tpu.memory_space<hbm>>
      tpu.enqueue_dma source(%dma_start3A_242 : memref<512xi32, #tpu.memory_space<hbm>>) target(%arg13 : memref<512xi32, #tpu.memory_space<vmem>>) target_semaphore(%run_scoped3A : memref<!tpu.dma_semaphore, #tpu.memory_space<semaphore_mem>>)
      %dma_wait3A_243 = tpu.memref_slice %arg7[%mul3A_2] : memref<16384xi32, #tpu.memory_space<hbm>> -> memref<512xi32, #tpu.memory_space<hbm>>
      %dma_wait3A_244 = tpu.memref_slice %arg7[%mul3A_2] : memref<16384xi32, #tpu.memory_space<hbm>> -> memref<512xi32, #tpu.memory_space<hbm>>
      tpu.wait_dma2 semaphore(%run_scoped3A : memref<!tpu.dma_semaphore, #tpu.memory_space<semaphore_mem>>) src(%dma_wait3A_244 : memref<512xi32, #tpu.memory_space<hbm>>) dst(%arg13 : memref<512xi32, #tpu.memory_space<vmem>>)
      tpu.yield
    }) : () -> ()
    %dma_start3A = arith.constant 0 : i32
    %dma_start3A_3 = tpu.memref_slice %arg11[%dma_start3A] : memref<512xi32, #tpu.memory_space<vmem>> -> memref<128xi32, #tpu.memory_space<vmem>>
    %dma_start3A_4 = arith.constant 0 : i32
    %dma_start3A_5 = arith.constant 0 : i32
    %dma_start3A_6 = tpu.memref_slice %arg2[%dma_start3A_4, %dma_start3A_5] : memref<50000x128xf32, #tpu.memory_space<hbm>> -> memref<50000x128xf32, #tpu.memory_space<hbm>>
    tpu.enqueue_indirect_dma source(%dma_start3A_6 : memref<50000x128xf32, #tpu.memory_space<hbm>>) target(%arg14 : memref<128x128xf32, #tpu.memory_space<vmem>>) offsets(%dma_start3A_3 : memref<128xi32, #tpu.memory_space<vmem>>) semaphore(%arg18 : memref<!tpu.dma_semaphore, #tpu.memory_space<semaphore_mem>>)
    %dma_start3A_7 = arith.constant 0 : i32
    %dma_start3A_8 = tpu.memref_slice %arg12[%dma_start3A_7] : memref<512xi32, #tpu.memory_space<vmem>> -> memref<128xi32, #tpu.memory_space<vmem>>
    %dma_start3A_9 = arith.constant 0 : i32
    %dma_start3A_10 = arith.constant 0 : i32
    %dma_start3A_11 = tpu.memref_slice %arg3[%dma_start3A_9, %dma_start3A_10] : memref<7813x128xf32, #tpu.memory_space<hbm>> -> memref<7813x128xf32, #tpu.memory_space<hbm>>
    tpu.enqueue_indirect_dma source(%dma_start3A_11 : memref<7813x128xf32, #tpu.memory_space<hbm>>) target(%arg15 : memref<128x128xf32, #tpu.memory_space<vmem>>) offsets(%dma_start3A_8 : memref<128xi32, #tpu.memory_space<vmem>>) semaphore(%arg19 : memref<!tpu.dma_semaphore, #tpu.memory_space<semaphore_mem>>)
    %dma_start3A_12 = arith.constant 0 : i32
    %dma_start3A_13 = tpu.memref_slice %arg13[%dma_start3A_12] : memref<512xi32, #tpu.memory_space<vmem>> -> memref<128xi32, #tpu.memory_space<vmem>>
    %dma_start3A_14 = arith.constant 0 : i32
    %dma_start3A_15 = arith.constant 0 : i32
    %dma_start3A_16 = tpu.memref_slice %arg4[%dma_start3A_14, %dma_start3A_15] : memref<782x128xf32, #tpu.memory_space<hbm>> -> memref<782x128xf32, #tpu.memory_space<hbm>>
    tpu.enqueue_indirect_dma source(%dma_start3A_16 : memref<782x128xf32, #tpu.memory_space<hbm>>) target(%arg16 : memref<128x128xf32, #tpu.memory_space<vmem>>) offsets(%dma_start3A_13 : memref<128xi32, #tpu.memory_space<vmem>>) semaphore(%arg20 : memref<!tpu.dma_semaphore, #tpu.memory_space<semaphore_mem>>)
    %dma_start3A_17 = arith.constant 128 : i32
    %dma_start3A_18 = tpu.memref_slice %arg11[%dma_start3A_17] : memref<512xi32, #tpu.memory_space<vmem>> -> memref<128xi32, #tpu.memory_space<vmem>>
    %dma_start3A_19 = arith.constant 0 : i32
    %dma_start3A_20 = arith.constant 0 : i32
    %dma_start3A_21 = tpu.memref_slice %arg2[%dma_start3A_19, %dma_start3A_20] : memref<50000x128xf32, #tpu.memory_space<hbm>> -> memref<50000x128xf32, #tpu.memory_space<hbm>>
    tpu.enqueue_indirect_dma source(%dma_start3A_21 : memref<50000x128xf32, #tpu.memory_space<hbm>>) target(%arg17 : memref<128x128xf32, #tpu.memory_space<vmem>>) offsets(%dma_start3A_18 : memref<128xi32, #tpu.memory_space<vmem>>) semaphore(%arg21 : memref<!tpu.dma_semaphore, #tpu.memory_space<semaphore_mem>>)
    %dma_wait3A = arith.constant 0 : i32
    %dma_wait3A_22 = tpu.memref_slice %arg11[%dma_wait3A] : memref<512xi32, #tpu.memory_space<vmem>> -> memref<128xi32, #tpu.memory_space<vmem>>
    %dma_wait3A_23 = arith.constant 0 : i32
    %dma_wait3A_24 = arith.constant 0 : i32
    %dma_wait3A_25 = tpu.memref_slice %arg2[%dma_wait3A_23, %dma_wait3A_24] : memref<50000x128xf32, #tpu.memory_space<hbm>> -> memref<50000x128xf32, #tpu.memory_space<hbm>>
    tpu.wait_indirect_dma semaphore(%arg18 : memref<!tpu.dma_semaphore, #tpu.memory_space<semaphore_mem>>) src(%dma_wait3A_25 : memref<50000x128xf32, #tpu.memory_space<hbm>>) dst(%arg14 : memref<128x128xf32, #tpu.memory_space<vmem>>)
    %add3A_26 = arith.constant 0 : i32
    %add3A_27 = arith.addi %mul3A_2, %add3A_26 : i32
    %dma_start3A_28 = arith.constant 0 : i32
    %dma_start3A_29 = tpu.memref_slice %arg8[%add3A_27, %dma_start3A_28] : memref<16384x128xf32, #tpu.memory_space<hbm>> -> memref<128x128xf32, #tpu.memory_space<hbm>>
    %dma_start3A_30 = arith.constant 0 : i32
    %dma_start3A_31 = tpu.memref_slice %arg8[%add3A_27, %dma_start3A_30] : memref<16384x128xf32, #tpu.memory_space<hbm>> -> memref<128x128xf32, #tpu.memory_space<hbm>>
    tpu.enqueue_dma source(%arg14 : memref<128x128xf32, #tpu.memory_space<vmem>>) target(%dma_start3A_31 : memref<128x128xf32, #tpu.memory_space<hbm>>) target_semaphore(%arg22 : memref<!tpu.dma_semaphore, #tpu.memory_space<semaphore_mem>>)
    %dma_wait3A_32 = arith.constant 0 : i32
    %dma_wait3A_33 = tpu.memref_slice %arg8[%add3A_27, %dma_wait3A_32] : memref<16384x128xf32, #tpu.memory_space<hbm>> -> memref<128x128xf32, #tpu.memory_space<hbm>>
    %dma_wait3A_34 = arith.constant 0 : i32
    %dma_wait3A_35 = tpu.memref_slice %arg8[%add3A_27, %dma_wait3A_34] : memref<16384x128xf32, #tpu.memory_space<hbm>> -> memref<128x128xf32, #tpu.memory_space<hbm>>
    tpu.wait_dma2 semaphore(%arg22 : memref<!tpu.dma_semaphore, #tpu.memory_space<semaphore_mem>>) src(%arg14 : memref<128x128xf32, #tpu.memory_space<vmem>>) dst(%dma_wait3A_35 : memref<128x128xf32, #tpu.memory_space<hbm>>)
    %dma_start3A_36 = arith.constant 128 : i32
    %dma_start3A_37 = tpu.memref_slice %arg12[%dma_start3A_36] : memref<512xi32, #tpu.memory_space<vmem>> -> memref<128xi32, #tpu.memory_space<vmem>>
    %dma_start3A_38 = arith.constant 0 : i32
    %dma_start3A_39 = arith.constant 0 : i32
    %dma_start3A_40 = tpu.memref_slice %arg3[%dma_start3A_38, %dma_start3A_39] : memref<7813x128xf32, #tpu.memory_space<hbm>> -> memref<7813x128xf32, #tpu.memory_space<hbm>>
    tpu.enqueue_indirect_dma source(%dma_start3A_40 : memref<7813x128xf32, #tpu.memory_space<hbm>>) target(%arg14 : memref<128x128xf32, #tpu.memory_space<vmem>>) offsets(%dma_start3A_37 : memref<128xi32, #tpu.memory_space<vmem>>) semaphore(%arg18 : memref<!tpu.dma_semaphore, #tpu.memory_space<semaphore_mem>>)
    %dma_wait3A_41 = arith.constant 0 : i32
    %dma_wait3A_42 = tpu.memref_slice %arg12[%dma_wait3A_41] : memref<512xi32, #tpu.memory_space<vmem>> -> memref<128xi32, #tpu.memory_space<vmem>>
    %dma_wait3A_43 = arith.constant 0 : i32
    %dma_wait3A_44 = arith.constant 0 : i32
    %dma_wait3A_45 = tpu.memref_slice %arg3[%dma_wait3A_43, %dma_wait3A_44] : memref<7813x128xf32, #tpu.memory_space<hbm>> -> memref<7813x128xf32, #tpu.memory_space<hbm>>
    tpu.wait_indirect_dma semaphore(%arg19 : memref<!tpu.dma_semaphore, #tpu.memory_space<semaphore_mem>>) src(%dma_wait3A_45 : memref<7813x128xf32, #tpu.memory_space<hbm>>) dst(%arg15 : memref<128x128xf32, #tpu.memory_space<vmem>>)
    %add3A_46 = arith.constant 0 : i32
    %add3A_47 = arith.addi %mul3A_2, %add3A_46 : i32
    %dma_start3A_48 = arith.constant 0 : i32
    %dma_start3A_49 = tpu.memref_slice %arg9[%add3A_47, %dma_start3A_48] : memref<16384x128xf32, #tpu.memory_space<hbm>> -> memref<128x128xf32, #tpu.memory_space<hbm>>
    %dma_start3A_50 = arith.constant 0 : i32
    %dma_start3A_51 = tpu.memref_slice %arg9[%add3A_47, %dma_start3A_50] : memref<16384x128xf32, #tpu.memory_space<hbm>> -> memref<128x128xf32, #tpu.memory_space<hbm>>
    tpu.enqueue_dma source(%arg15 : memref<128x128xf32, #tpu.memory_space<vmem>>) target(%dma_start3A_51 : memref<128x128xf32, #tpu.memory_space<hbm>>) target_semaphore(%arg23 : memref<!tpu.dma_semaphore, #tpu.memory_space<semaphore_mem>>)
    %dma_wait3A_52 = arith.constant 0 : i32
    %dma_wait3A_53 = tpu.memref_slice %arg9[%add3A_47, %dma_wait3A_52] : memref<16384x128xf32, #tpu.memory_space<hbm>> -> memref<128x128xf32, #tpu.memory_space<hbm>>
    %dma_wait3A_54 = arith.constant 0 : i32
    %dma_wait3A_55 = tpu.memref_slice %arg9[%add3A_47, %dma_wait3A_54] : memref<16384x128xf32, #tpu.memory_space<hbm>> -> memref<128x128xf32, #tpu.memory_space<hbm>>
    tpu.wait_dma2 semaphore(%arg23 : memref<!tpu.dma_semaphore, #tpu.memory_space<semaphore_mem>>) src(%arg15 : memref<128x128xf32, #tpu.memory_space<vmem>>) dst(%dma_wait3A_55 : memref<128x128xf32, #tpu.memory_space<hbm>>)
    %dma_start3A_56 = arith.constant 128 : i32
    %dma_start3A_57 = tpu.memref_slice %arg13[%dma_start3A_56] : memref<512xi32, #tpu.memory_space<vmem>> -> memref<128xi32, #tpu.memory_space<vmem>>
    %dma_start3A_58 = arith.constant 0 : i32
    %dma_start3A_59 = arith.constant 0 : i32
    %dma_start3A_60 = tpu.memref_slice %arg4[%dma_start3A_58, %dma_start3A_59] : memref<782x128xf32, #tpu.memory_space<hbm>> -> memref<782x128xf32, #tpu.memory_space<hbm>>
    tpu.enqueue_indirect_dma source(%dma_start3A_60 : memref<782x128xf32, #tpu.memory_space<hbm>>) target(%arg15 : memref<128x128xf32, #tpu.memory_space<vmem>>) offsets(%dma_start3A_57 : memref<128xi32, #tpu.memory_space<vmem>>) semaphore(%arg19 : memref<!tpu.dma_semaphore, #tpu.memory_space<semaphore_mem>>)
    %dma_wait3A_61 = arith.constant 0 : i32
    %dma_wait3A_62 = tpu.memref_slice %arg13[%dma_wait3A_61] : memref<512xi32, #tpu.memory_space<vmem>> -> memref<128xi32, #tpu.memory_space<vmem>>
    %dma_wait3A_63 = arith.constant 0 : i32
    %dma_wait3A_64 = arith.constant 0 : i32
    %dma_wait3A_65 = tpu.memref_slice %arg4[%dma_wait3A_63, %dma_wait3A_64] : memref<782x128xf32, #tpu.memory_space<hbm>> -> memref<782x128xf32, #tpu.memory_space<hbm>>
    tpu.wait_indirect_dma semaphore(%arg20 : memref<!tpu.dma_semaphore, #tpu.memory_space<semaphore_mem>>) src(%dma_wait3A_65 : memref<782x128xf32, #tpu.memory_space<hbm>>) dst(%arg16 : memref<128x128xf32, #tpu.memory_space<vmem>>)
    %add3A_66 = arith.constant 0 : i32
    %add3A_67 = arith.addi %mul3A_2, %add3A_66 : i32
    %dma_start3A_68 = arith.constant 0 : i32
    %dma_start3A_69 = tpu.memref_slice %arg10[%add3A_67, %dma_start3A_68] : memref<16384x128xf32, #tpu.memory_space<hbm>> -> memref<128x128xf32, #tpu.memory_space<hbm>>
    %dma_start3A_70 = arith.constant 0 : i32
    %dma_start3A_71 = tpu.memref_slice %arg10[%add3A_67, %dma_start3A_70] : memref<16384x128xf32, #tpu.memory_space<hbm>> -> memref<128x128xf32, #tpu.memory_space<hbm>>
    tpu.enqueue_dma source(%arg16 : memref<128x128xf32, #tpu.memory_space<vmem>>) target(%dma_start3A_71 : memref<128x128xf32, #tpu.memory_space<hbm>>) target_semaphore(%arg24 : memref<!tpu.dma_semaphore, #tpu.memory_space<semaphore_mem>>)
    %dma_wait3A_72 = arith.constant 0 : i32
    %dma_wait3A_73 = tpu.memref_slice %arg10[%add3A_67, %dma_wait3A_72] : memref<16384x128xf32, #tpu.memory_space<hbm>> -> memref<128x128xf32, #tpu.memory_space<hbm>>
    %dma_wait3A_74 = arith.constant 0 : i32
    %dma_wait3A_75 = tpu.memref_slice %arg10[%add3A_67, %dma_wait3A_74] : memref<16384x128xf32, #tpu.memory_space<hbm>> -> memref<128x128xf32, #tpu.memory_space<hbm>>
    tpu.wait_dma2 semaphore(%arg24 : memref<!tpu.dma_semaphore, #tpu.memory_space<semaphore_mem>>) src(%arg16 : memref<128x128xf32, #tpu.memory_space<vmem>>) dst(%dma_wait3A_75 : memref<128x128xf32, #tpu.memory_space<hbm>>)
    %dma_start3A_76 = arith.constant 256 : i32
    %dma_start3A_77 = tpu.memref_slice %arg11[%dma_start3A_76] : memref<512xi32, #tpu.memory_space<vmem>> -> memref<128xi32, #tpu.memory_space<vmem>>
    %dma_start3A_78 = arith.constant 0 : i32
    %dma_start3A_79 = arith.constant 0 : i32
    %dma_start3A_80 = tpu.memref_slice %arg2[%dma_start3A_78, %dma_start3A_79] : memref<50000x128xf32, #tpu.memory_space<hbm>> -> memref<50000x128xf32, #tpu.memory_space<hbm>>
    tpu.enqueue_indirect_dma source(%dma_start3A_80 : memref<50000x128xf32, #tpu.memory_space<hbm>>) target(%arg16 : memref<128x128xf32, #tpu.memory_space<vmem>>) offsets(%dma_start3A_77 : memref<128xi32, #tpu.memory_space<vmem>>) semaphore(%arg20 : memref<!tpu.dma_semaphore, #tpu.memory_space<semaphore_mem>>)
    %dma_wait3A_81 = arith.constant 128 : i32
    %dma_wait3A_82 = tpu.memref_slice %arg11[%dma_wait3A_81] : memref<512xi32, #tpu.memory_space<vmem>> -> memref<128xi32, #tpu.memory_space<vmem>>
    %dma_wait3A_83 = arith.constant 0 : i32
    %dma_wait3A_84 = arith.constant 0 : i32
    %dma_wait3A_85 = tpu.memref_slice %arg2[%dma_wait3A_83, %dma_wait3A_84] : memref<50000x128xf32, #tpu.memory_space<hbm>> -> memref<50000x128xf32, #tpu.memory_space<hbm>>
    tpu.wait_indirect_dma semaphore(%arg21 : memref<!tpu.dma_semaphore, #tpu.memory_space<semaphore_mem>>) src(%dma_wait3A_85 : memref<50000x128xf32, #tpu.memory_space<hbm>>) dst(%arg17 : memref<128x128xf32, #tpu.memory_space<vmem>>)
    %add3A_86 = arith.constant 128 : i32
    %add3A_87 = arith.addi %mul3A_2, %add3A_86 : i32
    %dma_start3A_88 = arith.constant 0 : i32
    %dma_start3A_89 = tpu.memref_slice %arg8[%add3A_87, %dma_start3A_88] : memref<16384x128xf32, #tpu.memory_space<hbm>> -> memref<128x128xf32, #tpu.memory_space<hbm>>
    %dma_start3A_90 = arith.constant 0 : i32
    %dma_start3A_91 = tpu.memref_slice %arg8[%add3A_87, %dma_start3A_90] : memref<16384x128xf32, #tpu.memory_space<hbm>> -> memref<128x128xf32, #tpu.memory_space<hbm>>
    tpu.enqueue_dma source(%arg17 : memref<128x128xf32, #tpu.memory_space<vmem>>) target(%dma_start3A_91 : memref<128x128xf32, #tpu.memory_space<hbm>>) target_semaphore(%arg25 : memref<!tpu.dma_semaphore, #tpu.memory_space<semaphore_mem>>)
    %dma_wait3A_92 = arith.constant 0 : i32
    %dma_wait3A_93 = tpu.memref_slice %arg8[%add3A_87, %dma_wait3A_92] : memref<16384x128xf32, #tpu.memory_space<hbm>> -> memref<128x128xf32, #tpu.memory_space<hbm>>
    %dma_wait3A_94 = arith.constant 0 : i32
    %dma_wait3A_95 = tpu.memref_slice %arg8[%add3A_87, %dma_wait3A_94] : memref<16384x128xf32, #tpu.memory_space<hbm>> -> memref<128x128xf32, #tpu.memory_space<hbm>>
    tpu.wait_dma2 semaphore(%arg25 : memref<!tpu.dma_semaphore, #tpu.memory_space<semaphore_mem>>) src(%arg17 : memref<128x128xf32, #tpu.memory_space<vmem>>) dst(%dma_wait3A_95 : memref<128x128xf32, #tpu.memory_space<hbm>>)
    %dma_start3A_96 = arith.constant 256 : i32
    %dma_start3A_97 = tpu.memref_slice %arg12[%dma_start3A_96] : memref<512xi32, #tpu.memory_space<vmem>> -> memref<128xi32, #tpu.memory_space<vmem>>
    %dma_start3A_98 = arith.constant 0 : i32
    %dma_start3A_99 = arith.constant 0 : i32
    %dma_start3A_100 = tpu.memref_slice %arg3[%dma_start3A_98, %dma_start3A_99] : memref<7813x128xf32, #tpu.memory_space<hbm>> -> memref<7813x128xf32, #tpu.memory_space<hbm>>
    tpu.enqueue_indirect_dma source(%dma_start3A_100 : memref<7813x128xf32, #tpu.memory_space<hbm>>) target(%arg17 : memref<128x128xf32, #tpu.memory_space<vmem>>) offsets(%dma_start3A_97 : memref<128xi32, #tpu.memory_space<vmem>>) semaphore(%arg21 : memref<!tpu.dma_semaphore, #tpu.memory_space<semaphore_mem>>)
    %dma_wait3A_101 = arith.constant 128 : i32
    %dma_wait3A_102 = tpu.memref_slice %arg12[%dma_wait3A_101] : memref<512xi32, #tpu.memory_space<vmem>> -> memref<128xi32, #tpu.memory_space<vmem>>
    %dma_wait3A_103 = arith.constant 0 : i32
    %dma_wait3A_104 = arith.constant 0 : i32
    %dma_wait3A_105 = tpu.memref_slice %arg3[%dma_wait3A_103, %dma_wait3A_104] : memref<7813x128xf32, #tpu.memory_space<hbm>> -> memref<7813x128xf32, #tpu.memory_space<hbm>>
    tpu.wait_indirect_dma semaphore(%arg18 : memref<!tpu.dma_semaphore, #tpu.memory_space<semaphore_mem>>) src(%dma_wait3A_105 : memref<7813x128xf32, #tpu.memory_space<hbm>>) dst(%arg14 : memref<128x128xf32, #tpu.memory_space<vmem>>)
    %add3A_106 = arith.constant 128 : i32
    %add3A_107 = arith.addi %mul3A_2, %add3A_106 : i32
    %dma_start3A_108 = arith.constant 0 : i32
    %dma_start3A_109 = tpu.memref_slice %arg9[%add3A_107, %dma_start3A_108] : memref<16384x128xf32, #tpu.memory_space<hbm>> -> memref<128x128xf32, #tpu.memory_space<hbm>>
    %dma_start3A_110 = arith.constant 0 : i32
    %dma_start3A_111 = tpu.memref_slice %arg9[%add3A_107, %dma_start3A_110] : memref<16384x128xf32, #tpu.memory_space<hbm>> -> memref<128x128xf32, #tpu.memory_space<hbm>>
    tpu.enqueue_dma source(%arg14 : memref<128x128xf32, #tpu.memory_space<vmem>>) target(%dma_start3A_111 : memref<128x128xf32, #tpu.memory_space<hbm>>) target_semaphore(%arg22 : memref<!tpu.dma_semaphore, #tpu.memory_space<semaphore_mem>>)
    %dma_wait3A_112 = arith.constant 0 : i32
    %dma_wait3A_113 = tpu.memref_slice %arg9[%add3A_107, %dma_wait3A_112] : memref<16384x128xf32, #tpu.memory_space<hbm>> -> memref<128x128xf32, #tpu.memory_space<hbm>>
    %dma_wait3A_114 = arith.constant 0 : i32
    %dma_wait3A_115 = tpu.memref_slice %arg9[%add3A_107, %dma_wait3A_114] : memref<16384x128xf32, #tpu.memory_space<hbm>> -> memref<128x128xf32, #tpu.memory_space<hbm>>
    tpu.wait_dma2 semaphore(%arg22 : memref<!tpu.dma_semaphore, #tpu.memory_space<semaphore_mem>>) src(%arg14 : memref<128x128xf32, #tpu.memory_space<vmem>>) dst(%dma_wait3A_115 : memref<128x128xf32, #tpu.memory_space<hbm>>)
    %dma_start3A_116 = arith.constant 256 : i32
    %dma_start3A_117 = tpu.memref_slice %arg13[%dma_start3A_116] : memref<512xi32, #tpu.memory_space<vmem>> -> memref<128xi32, #tpu.memory_space<vmem>>
    %dma_start3A_118 = arith.constant 0 : i32
    %dma_start3A_119 = arith.constant 0 : i32
    %dma_start3A_120 = tpu.memref_slice %arg4[%dma_start3A_118, %dma_start3A_119] : memref<782x128xf32, #tpu.memory_space<hbm>> -> memref<782x128xf32, #tpu.memory_space<hbm>>
    tpu.enqueue_indirect_dma source(%dma_start3A_120 : memref<782x128xf32, #tpu.memory_space<hbm>>) target(%arg14 : memref<128x128xf32, #tpu.memory_space<vmem>>) offsets(%dma_start3A_117 : memref<128xi32, #tpu.memory_space<vmem>>) semaphore(%arg18 : memref<!tpu.dma_semaphore, #tpu.memory_space<semaphore_mem>>)
    %dma_wait3A_121 = arith.constant 128 : i32
    %dma_wait3A_122 = tpu.memref_slice %arg13[%dma_wait3A_121] : memref<512xi32, #tpu.memory_space<vmem>> -> memref<128xi32, #tpu.memory_space<vmem>>
    %dma_wait3A_123 = arith.constant 0 : i32
    %dma_wait3A_124 = arith.constant 0 : i32
    %dma_wait3A_125 = tpu.memref_slice %arg4[%dma_wait3A_123, %dma_wait3A_124] : memref<782x128xf32, #tpu.memory_space<hbm>> -> memref<782x128xf32, #tpu.memory_space<hbm>>
    tpu.wait_indirect_dma semaphore(%arg19 : memref<!tpu.dma_semaphore, #tpu.memory_space<semaphore_mem>>) src(%dma_wait3A_125 : memref<782x128xf32, #tpu.memory_space<hbm>>) dst(%arg15 : memref<128x128xf32, #tpu.memory_space<vmem>>)
    %add3A_126 = arith.constant 128 : i32
    %add3A_127 = arith.addi %mul3A_2, %add3A_126 : i32
    %dma_start3A_128 = arith.constant 0 : i32
    %dma_start3A_129 = tpu.memref_slice %arg10[%add3A_127, %dma_start3A_128] : memref<16384x128xf32, #tpu.memory_space<hbm>> -> memref<128x128xf32, #tpu.memory_space<hbm>>
    %dma_start3A_130 = arith.constant 0 : i32
    %dma_start3A_131 = tpu.memref_slice %arg10[%add3A_127, %dma_start3A_130] : memref<16384x128xf32, #tpu.memory_space<hbm>> -> memref<128x128xf32, #tpu.memory_space<hbm>>
    tpu.enqueue_dma source(%arg15 : memref<128x128xf32, #tpu.memory_space<vmem>>) target(%dma_start3A_131 : memref<128x128xf32, #tpu.memory_space<hbm>>) target_semaphore(%arg23 : memref<!tpu.dma_semaphore, #tpu.memory_space<semaphore_mem>>)
    %dma_wait3A_132 = arith.constant 0 : i32
    %dma_wait3A_133 = tpu.memref_slice %arg10[%add3A_127, %dma_wait3A_132] : memref<16384x128xf32, #tpu.memory_space<hbm>> -> memref<128x128xf32, #tpu.memory_space<hbm>>
    %dma_wait3A_134 = arith.constant 0 : i32
    %dma_wait3A_135 = tpu.memref_slice %arg10[%add3A_127, %dma_wait3A_134] : memref<16384x128xf32, #tpu.memory_space<hbm>> -> memref<128x128xf32, #tpu.memory_space<hbm>>
    tpu.wait_dma2 semaphore(%arg23 : memref<!tpu.dma_semaphore, #tpu.memory_space<semaphore_mem>>) src(%arg15 : memref<128x128xf32, #tpu.memory_space<vmem>>) dst(%dma_wait3A_135 : memref<128x128xf32, #tpu.memory_space<hbm>>)
    %dma_start3A_136 = arith.constant 384 : i32
    %dma_start3A_137 = tpu.memref_slice %arg11[%dma_start3A_136] : memref<512xi32, #tpu.memory_space<vmem>> -> memref<128xi32, #tpu.memory_space<vmem>>
    %dma_start3A_138 = arith.constant 0 : i32
    %dma_start3A_139 = arith.constant 0 : i32
    %dma_start3A_140 = tpu.memref_slice %arg2[%dma_start3A_138, %dma_start3A_139] : memref<50000x128xf32, #tpu.memory_space<hbm>> -> memref<50000x128xf32, #tpu.memory_space<hbm>>
    tpu.enqueue_indirect_dma source(%dma_start3A_140 : memref<50000x128xf32, #tpu.memory_space<hbm>>) target(%arg15 : memref<128x128xf32, #tpu.memory_space<vmem>>) offsets(%dma_start3A_137 : memref<128xi32, #tpu.memory_space<vmem>>) semaphore(%arg19 : memref<!tpu.dma_semaphore, #tpu.memory_space<semaphore_mem>>)
    %dma_wait3A_141 = arith.constant 256 : i32
    %dma_wait3A_142 = tpu.memref_slice %arg11[%dma_wait3A_141] : memref<512xi32, #tpu.memory_space<vmem>> -> memref<128xi32, #tpu.memory_space<vmem>>
    %dma_wait3A_143 = arith.constant 0 : i32
    %dma_wait3A_144 = arith.constant 0 : i32
    %dma_wait3A_145 = tpu.memref_slice %arg2[%dma_wait3A_143, %dma_wait3A_144] : memref<50000x128xf32, #tpu.memory_space<hbm>> -> memref<50000x128xf32, #tpu.memory_space<hbm>>
    tpu.wait_indirect_dma semaphore(%arg20 : memref<!tpu.dma_semaphore, #tpu.memory_space<semaphore_mem>>) src(%dma_wait3A_145 : memref<50000x128xf32, #tpu.memory_space<hbm>>) dst(%arg16 : memref<128x128xf32, #tpu.memory_space<vmem>>)
    %add3A_146 = arith.constant 256 : i32
    %add3A_147 = arith.addi %mul3A_2, %add3A_146 : i32
    %dma_start3A_148 = arith.constant 0 : i32
    %dma_start3A_149 = tpu.memref_slice %arg8[%add3A_147, %dma_start3A_148] : memref<16384x128xf32, #tpu.memory_space<hbm>> -> memref<128x128xf32, #tpu.memory_space<hbm>>
    %dma_start3A_150 = arith.constant 0 : i32
    %dma_start3A_151 = tpu.memref_slice %arg8[%add3A_147, %dma_start3A_150] : memref<16384x128xf32, #tpu.memory_space<hbm>> -> memref<128x128xf32, #tpu.memory_space<hbm>>
    tpu.enqueue_dma source(%arg16 : memref<128x128xf32, #tpu.memory_space<vmem>>) target(%dma_start3A_151 : memref<128x128xf32, #tpu.memory_space<hbm>>) target_semaphore(%arg24 : memref<!tpu.dma_semaphore, #tpu.memory_space<semaphore_mem>>)
    %dma_wait3A_152 = arith.constant 0 : i32
    %dma_wait3A_153 = tpu.memref_slice %arg8[%add3A_147, %dma_wait3A_152] : memref<16384x128xf32, #tpu.memory_space<hbm>> -> memref<128x128xf32, #tpu.memory_space<hbm>>
    %dma_wait3A_154 = arith.constant 0 : i32
    %dma_wait3A_155 = tpu.memref_slice %arg8[%add3A_147, %dma_wait3A_154] : memref<16384x128xf32, #tpu.memory_space<hbm>> -> memref<128x128xf32, #tpu.memory_space<hbm>>
    tpu.wait_dma2 semaphore(%arg24 : memref<!tpu.dma_semaphore, #tpu.memory_space<semaphore_mem>>) src(%arg16 : memref<128x128xf32, #tpu.memory_space<vmem>>) dst(%dma_wait3A_155 : memref<128x128xf32, #tpu.memory_space<hbm>>)
    %dma_start3A_156 = arith.constant 384 : i32
    %dma_start3A_157 = tpu.memref_slice %arg12[%dma_start3A_156] : memref<512xi32, #tpu.memory_space<vmem>> -> memref<128xi32, #tpu.memory_space<vmem>>
    %dma_start3A_158 = arith.constant 0 : i32
    %dma_start3A_159 = arith.constant 0 : i32
    %dma_start3A_160 = tpu.memref_slice %arg3[%dma_start3A_158, %dma_start3A_159] : memref<7813x128xf32, #tpu.memory_space<hbm>> -> memref<7813x128xf32, #tpu.memory_space<hbm>>
    tpu.enqueue_indirect_dma source(%dma_start3A_160 : memref<7813x128xf32, #tpu.memory_space<hbm>>) target(%arg16 : memref<128x128xf32, #tpu.memory_space<vmem>>) offsets(%dma_start3A_157 : memref<128xi32, #tpu.memory_space<vmem>>) semaphore(%arg20 : memref<!tpu.dma_semaphore, #tpu.memory_space<semaphore_mem>>)
    %dma_wait3A_161 = arith.constant 256 : i32
    %dma_wait3A_162 = tpu.memref_slice %arg12[%dma_wait3A_161] : memref<512xi32, #tpu.memory_space<vmem>> -> memref<128xi32, #tpu.memory_space<vmem>>
    %dma_wait3A_163 = arith.constant 0 : i32
    %dma_wait3A_164 = arith.constant 0 : i32
    %dma_wait3A_165 = tpu.memref_slice %arg3[%dma_wait3A_163, %dma_wait3A_164] : memref<7813x128xf32, #tpu.memory_space<hbm>> -> memref<7813x128xf32, #tpu.memory_space<hbm>>
    tpu.wait_indirect_dma semaphore(%arg21 : memref<!tpu.dma_semaphore, #tpu.memory_space<semaphore_mem>>) src(%dma_wait3A_165 : memref<7813x128xf32, #tpu.memory_space<hbm>>) dst(%arg17 : memref<128x128xf32, #tpu.memory_space<vmem>>)
    %add3A_166 = arith.constant 256 : i32
    %add3A_167 = arith.addi %mul3A_2, %add3A_166 : i32
    %dma_start3A_168 = arith.constant 0 : i32
    %dma_start3A_169 = tpu.memref_slice %arg9[%add3A_167, %dma_start3A_168] : memref<16384x128xf32, #tpu.memory_space<hbm>> -> memref<128x128xf32, #tpu.memory_space<hbm>>
    %dma_start3A_170 = arith.constant 0 : i32
    %dma_start3A_171 = tpu.memref_slice %arg9[%add3A_167, %dma_start3A_170] : memref<16384x128xf32, #tpu.memory_space<hbm>> -> memref<128x128xf32, #tpu.memory_space<hbm>>
    tpu.enqueue_dma source(%arg17 : memref<128x128xf32, #tpu.memory_space<vmem>>) target(%dma_start3A_171 : memref<128x128xf32, #tpu.memory_space<hbm>>) target_semaphore(%arg25 : memref<!tpu.dma_semaphore, #tpu.memory_space<semaphore_mem>>)
    %dma_wait3A_172 = arith.constant 0 : i32
    %dma_wait3A_173 = tpu.memref_slice %arg9[%add3A_167, %dma_wait3A_172] : memref<16384x128xf32, #tpu.memory_space<hbm>> -> memref<128x128xf32, #tpu.memory_space<hbm>>
    %dma_wait3A_174 = arith.constant 0 : i32
    %dma_wait3A_175 = tpu.memref_slice %arg9[%add3A_167, %dma_wait3A_174] : memref<16384x128xf32, #tpu.memory_space<hbm>> -> memref<128x128xf32, #tpu.memory_space<hbm>>
    tpu.wait_dma2 semaphore(%arg25 : memref<!tpu.dma_semaphore, #tpu.memory_space<semaphore_mem>>) src(%arg17 : memref<128x128xf32, #tpu.memory_space<vmem>>) dst(%dma_wait3A_175 : memref<128x128xf32, #tpu.memory_space<hbm>>)
    %dma_start3A_176 = arith.constant 384 : i32
    %dma_start3A_177 = tpu.memref_slice %arg13[%dma_start3A_176] : memref<512xi32, #tpu.memory_space<vmem>> -> memref<128xi32, #tpu.memory_space<vmem>>
    %dma_start3A_178 = arith.constant 0 : i32
    %dma_start3A_179 = arith.constant 0 : i32
    %dma_start3A_180 = tpu.memref_slice %arg4[%dma_start3A_178, %dma_start3A_179] : memref<782x128xf32, #tpu.memory_space<hbm>> -> memref<782x128xf32, #tpu.memory_space<hbm>>
    tpu.enqueue_indirect_dma source(%dma_start3A_180 : memref<782x128xf32, #tpu.memory_space<hbm>>) target(%arg17 : memref<128x128xf32, #tpu.memory_space<vmem>>) offsets(%dma_start3A_177 : memref<128xi32, #tpu.memory_space<vmem>>) semaphore(%arg21 : memref<!tpu.dma_semaphore, #tpu.memory_space<semaphore_mem>>)
    %dma_wait3A_181 = arith.constant 256 : i32
    %dma_wait3A_182 = tpu.memref_slice %arg13[%dma_wait3A_181] : memref<512xi32, #tpu.memory_space<vmem>> -> memref<128xi32, #tpu.memory_space<vmem>>
    %dma_wait3A_183 = arith.constant 0 : i32
    %dma_wait3A_184 = arith.constant 0 : i32
    %dma_wait3A_185 = tpu.memref_slice %arg4[%dma_wait3A_183, %dma_wait3A_184] : memref<782x128xf32, #tpu.memory_space<hbm>> -> memref<782x128xf32, #tpu.memory_space<hbm>>
    tpu.wait_indirect_dma semaphore(%arg18 : memref<!tpu.dma_semaphore, #tpu.memory_space<semaphore_mem>>) src(%dma_wait3A_185 : memref<782x128xf32, #tpu.memory_space<hbm>>) dst(%arg14 : memref<128x128xf32, #tpu.memory_space<vmem>>)
    %add3A_186 = arith.constant 256 : i32
    %add3A_187 = arith.addi %mul3A_2, %add3A_186 : i32
    %dma_start3A_188 = arith.constant 0 : i32
    %dma_start3A_189 = tpu.memref_slice %arg10[%add3A_187, %dma_start3A_188] : memref<16384x128xf32, #tpu.memory_space<hbm>> -> memref<128x128xf32, #tpu.memory_space<hbm>>
    %dma_start3A_190 = arith.constant 0 : i32
    %dma_start3A_191 = tpu.memref_slice %arg10[%add3A_187, %dma_start3A_190] : memref<16384x128xf32, #tpu.memory_space<hbm>> -> memref<128x128xf32, #tpu.memory_space<hbm>>
    tpu.enqueue_dma source(%arg14 : memref<128x128xf32, #tpu.memory_space<vmem>>) target(%dma_start3A_191 : memref<128x128xf32, #tpu.memory_space<hbm>>) target_semaphore(%arg22 : memref<!tpu.dma_semaphore, #tpu.memory_space<semaphore_mem>>)
    %dma_wait3A_192 = arith.constant 384 : i32
    %dma_wait3A_193 = tpu.memref_slice %arg11[%dma_wait3A_192] : memref<512xi32, #tpu.memory_space<vmem>> -> memref<128xi32, #tpu.memory_space<vmem>>
    %dma_wait3A_194 = arith.constant 0 : i32
    %dma_wait3A_195 = arith.constant 0 : i32
    %dma_wait3A_196 = tpu.memref_slice %arg2[%dma_wait3A_194, %dma_wait3A_195] : memref<50000x128xf32, #tpu.memory_space<hbm>> -> memref<50000x128xf32, #tpu.memory_space<hbm>>
    tpu.wait_indirect_dma semaphore(%arg19 : memref<!tpu.dma_semaphore, #tpu.memory_space<semaphore_mem>>) src(%dma_wait3A_196 : memref<50000x128xf32, #tpu.memory_space<hbm>>) dst(%arg15 : memref<128x128xf32, #tpu.memory_space<vmem>>)
    %add3A_197 = arith.constant 384 : i32
    %add3A_198 = arith.addi %mul3A_2, %add3A_197 : i32
    %dma_start3A_199 = arith.constant 0 : i32
    %dma_start3A_200 = tpu.memref_slice %arg8[%add3A_198, %dma_start3A_199] : memref<16384x128xf32, #tpu.memory_space<hbm>> -> memref<128x128xf32, #tpu.memory_space<hbm>>
    %dma_start3A_201 = arith.constant 0 : i32
    %dma_start3A_202 = tpu.memref_slice %arg8[%add3A_198, %dma_start3A_201] : memref<16384x128xf32, #tpu.memory_space<hbm>> -> memref<128x128xf32, #tpu.memory_space<hbm>>
    tpu.enqueue_dma source(%arg15 : memref<128x128xf32, #tpu.memory_space<vmem>>) target(%dma_start3A_202 : memref<128x128xf32, #tpu.memory_space<hbm>>) target_semaphore(%arg23 : memref<!tpu.dma_semaphore, #tpu.memory_space<semaphore_mem>>)
    %dma_wait3A_203 = arith.constant 384 : i32
    %dma_wait3A_204 = tpu.memref_slice %arg12[%dma_wait3A_203] : memref<512xi32, #tpu.memory_space<vmem>> -> memref<128xi32, #tpu.memory_space<vmem>>
    %dma_wait3A_205 = arith.constant 0 : i32
    %dma_wait3A_206 = arith.constant 0 : i32
    %dma_wait3A_207 = tpu.memref_slice %arg3[%dma_wait3A_205, %dma_wait3A_206] : memref<7813x128xf32, #tpu.memory_space<hbm>> -> memref<7813x128xf32, #tpu.memory_space<hbm>>
    tpu.wait_indirect_dma semaphore(%arg20 : memref<!tpu.dma_semaphore, #tpu.memory_space<semaphore_mem>>) src(%dma_wait3A_207 : memref<7813x128xf32, #tpu.memory_space<hbm>>) dst(%arg16 : memref<128x128xf32, #tpu.memory_space<vmem>>)
    %add3A_208 = arith.constant 384 : i32
    %add3A_209 = arith.addi %mul3A_2, %add3A_208 : i32
    %dma_start3A_210 = arith.constant 0 : i32
    %dma_start3A_211 = tpu.memref_slice %arg9[%add3A_209, %dma_start3A_210] : memref<16384x128xf32, #tpu.memory_space<hbm>> -> memref<128x128xf32, #tpu.memory_space<hbm>>
    %dma_start3A_212 = arith.constant 0 : i32
    %dma_start3A_213 = tpu.memref_slice %arg9[%add3A_209, %dma_start3A_212] : memref<16384x128xf32, #tpu.memory_space<hbm>> -> memref<128x128xf32, #tpu.memory_space<hbm>>
    tpu.enqueue_dma source(%arg16 : memref<128x128xf32, #tpu.memory_space<vmem>>) target(%dma_start3A_213 : memref<128x128xf32, #tpu.memory_space<hbm>>) target_semaphore(%arg24 : memref<!tpu.dma_semaphore, #tpu.memory_space<semaphore_mem>>)
    %dma_wait3A_214 = arith.constant 384 : i32
    %dma_wait3A_215 = tpu.memref_slice %arg13[%dma_wait3A_214] : memref<512xi32, #tpu.memory_space<vmem>> -> memref<128xi32, #tpu.memory_space<vmem>>
    %dma_wait3A_216 = arith.constant 0 : i32
    %dma_wait3A_217 = arith.constant 0 : i32
    %dma_wait3A_218 = tpu.memref_slice %arg4[%dma_wait3A_216, %dma_wait3A_217] : memref<782x128xf32, #tpu.memory_space<hbm>> -> memref<782x128xf32, #tpu.memory_space<hbm>>
    tpu.wait_indirect_dma semaphore(%arg21 : memref<!tpu.dma_semaphore, #tpu.memory_space<semaphore_mem>>) src(%dma_wait3A_218 : memref<782x128xf32, #tpu.memory_space<hbm>>) dst(%arg17 : memref<128x128xf32, #tpu.memory_space<vmem>>)
    %add3A_219 = arith.constant 384 : i32
    %add3A_220 = arith.addi %mul3A_2, %add3A_219 : i32
    %dma_start3A_221 = arith.constant 0 : i32
    %dma_start3A_222 = tpu.memref_slice %arg10[%add3A_220, %dma_start3A_221] : memref<16384x128xf32, #tpu.memory_space<hbm>> -> memref<128x128xf32, #tpu.memory_space<hbm>>
    %dma_start3A_223 = arith.constant 0 : i32
    %dma_start3A_224 = tpu.memref_slice %arg10[%add3A_220, %dma_start3A_223] : memref<16384x128xf32, #tpu.memory_space<hbm>> -> memref<128x128xf32, #tpu.memory_space<hbm>>
    tpu.enqueue_dma source(%arg17 : memref<128x128xf32, #tpu.memory_space<vmem>>) target(%dma_start3A_224 : memref<128x128xf32, #tpu.memory_space<hbm>>) target_semaphore(%arg25 : memref<!tpu.dma_semaphore, #tpu.memory_space<semaphore_mem>>)
    %dma_wait3A_225 = arith.constant 0 : i32
    %dma_wait3A_226 = tpu.memref_slice %arg10[%add3A_187, %dma_wait3A_225] : memref<16384x128xf32, #tpu.memory_space<hbm>> -> memref<128x128xf32, #tpu.memory_space<hbm>>
    %dma_wait3A_227 = arith.constant 0 : i32
    %dma_wait3A_228 = tpu.memref_slice %arg10[%add3A_187, %dma_wait3A_227] : memref<16384x128xf32, #tpu.memory_space<hbm>> -> memref<128x128xf32, #tpu.memory_space<hbm>>
    tpu.wait_dma2 semaphore(%arg22 : memref<!tpu.dma_semaphore, #tpu.memory_space<semaphore_mem>>) src(%arg14 : memref<128x128xf32, #tpu.memory_space<vmem>>) dst(%dma_wait3A_228 : memref<128x128xf32, #tpu.memory_space<hbm>>)
    %dma_wait3A_229 = arith.constant 0 : i32
    %dma_wait3A_230 = tpu.memref_slice %arg8[%add3A_198, %dma_wait3A_229] : memref<16384x128xf32, #tpu.memory_space<hbm>> -> memref<128x128xf32, #tpu.memory_space<hbm>>
    %dma_wait3A_231 = arith.constant 0 : i32
    %dma_wait3A_232 = tpu.memref_slice %arg8[%add3A_198, %dma_wait3A_231] : memref<16384x128xf32, #tpu.memory_space<hbm>> -> memref<128x128xf32, #tpu.memory_space<hbm>>
    tpu.wait_dma2 semaphore(%arg23 : memref<!tpu.dma_semaphore, #tpu.memory_space<semaphore_mem>>) src(%arg15 : memref<128x128xf32, #tpu.memory_space<vmem>>) dst(%dma_wait3A_232 : memref<128x128xf32, #tpu.memory_space<hbm>>)
    %dma_wait3A_233 = arith.constant 0 : i32
    %dma_wait3A_234 = tpu.memref_slice %arg9[%add3A_209, %dma_wait3A_233] : memref<16384x128xf32, #tpu.memory_space<hbm>> -> memref<128x128xf32, #tpu.memory_space<hbm>>
    %dma_wait3A_235 = arith.constant 0 : i32
    %dma_wait3A_236 = tpu.memref_slice %arg9[%add3A_209, %dma_wait3A_235] : memref<16384x128xf32, #tpu.memory_space<hbm>> -> memref<128x128xf32, #tpu.memory_space<hbm>>
    tpu.wait_dma2 semaphore(%arg24 : memref<!tpu.dma_semaphore, #tpu.memory_space<semaphore_mem>>) src(%arg16 : memref<128x128xf32, #tpu.memory_space<vmem>>) dst(%dma_wait3A_236 : memref<128x128xf32, #tpu.memory_space<hbm>>)
    %dma_wait3A_237 = arith.constant 0 : i32
    %dma_wait3A_238 = tpu.memref_slice %arg10[%add3A_220, %dma_wait3A_237] : memref<16384x128xf32, #tpu.memory_space<hbm>> -> memref<128x128xf32, #tpu.memory_space<hbm>>
    %dma_wait3A_239 = arith.constant 0 : i32
    %dma_wait3A_240 = tpu.memref_slice %arg10[%add3A_220, %dma_wait3A_239] : memref<16384x128xf32, #tpu.memory_space<hbm>> -> memref<128x128xf32, #tpu.memory_space<hbm>>
    tpu.wait_dma2 semaphore(%arg25 : memref<!tpu.dma_semaphore, #tpu.memory_space<semaphore_mem>>) src(%arg17 : memref<128x128xf32, #tpu.memory_space<vmem>>) dst(%dma_wait3A_240 : memref<128x128xf32, #tpu.memory_space<hbm>>)
    return
  }
}

#map = affine_map<(d0, d1) -> (0, 0)>
#map1 = affine_map<(d0, d1) -> (0)>
module attributes {stable_mosaic.version = 14 : i64} {
  func.func @sc_u_gather(%arg0: i32, %arg1: i32, %arg2: memref<500000x128xf32, #tpu.memory_space<hbm>>, %arg3: memref<16384xi32, #tpu.memory_space<hbm>>, %arg4: memref<16384x128xf32, #tpu.memory_space<hbm>>, %arg5: memref<512xi32, #tpu.memory_space<vmem>>, %arg6: memref<128x128xf32, #tpu.memory_space<vmem>>, %arg7: memref<128x128xf32, #tpu.memory_space<vmem>>, %arg8: memref<128x128xf32, #tpu.memory_space<vmem>>, %arg9: memref<128x128xf32, #tpu.memory_space<vmem>>, %arg10: memref<!tpu.dma_semaphore, #tpu.memory_space<semaphore_mem>>, %arg11: memref<!tpu.dma_semaphore, #tpu.memory_space<semaphore_mem>>, %arg12: memref<!tpu.dma_semaphore, #tpu.memory_space<semaphore_mem>>, %arg13: memref<!tpu.dma_semaphore, #tpu.memory_space<semaphore_mem>>, %arg14: memref<!tpu.dma_semaphore, #tpu.memory_space<semaphore_mem>>, %arg15: memref<!tpu.dma_semaphore, #tpu.memory_space<semaphore_mem>>, %arg16: memref<!tpu.dma_semaphore, #tpu.memory_space<semaphore_mem>>, %arg17: memref<!tpu.dma_semaphore, #tpu.memory_space<semaphore_mem>>) attributes {dimension_semantics = [#tpu.dimension_semantics<core_parallel>, #tpu.dimension_semantics<subcore_parallel>], iteration_bounds = array<i64: 2, 16>, scalar_prefetch = 0 : i64, scratch_operands = 13 : i64, tpu.core_type = #tpu.core_type<sc_vector_subcore>, window_params = [{transform_indices = #map}, {transform_indices = #map1}, {transform_indices = #map}]} {
    %mul3A = arith.constant 2 : i32
    %mul3A_0 = arith.muli %arg1, %mul3A : i32
    %add3A = arith.addi %mul3A_0, %arg0 : i32
    %mul3A_1 = arith.constant 512 : i32
    %mul3A_2 = arith.muli %add3A, %mul3A_1 : i32
    "tpu.region"() ({
      %run_scoped3A = tpu.sem_alloc : memref<!tpu.dma_semaphore, #tpu.memory_space<semaphore_mem>>
      %dma_start3A_81 = tpu.memref_slice %arg3[%mul3A_2] : memref<16384xi32, #tpu.memory_space<hbm>> -> memref<512xi32, #tpu.memory_space<hbm>>
      %dma_start3A_82 = tpu.memref_slice %arg3[%mul3A_2] : memref<16384xi32, #tpu.memory_space<hbm>> -> memref<512xi32, #tpu.memory_space<hbm>>
      tpu.enqueue_dma source(%dma_start3A_82 : memref<512xi32, #tpu.memory_space<hbm>>) target(%arg5 : memref<512xi32, #tpu.memory_space<vmem>>) target_semaphore(%run_scoped3A : memref<!tpu.dma_semaphore, #tpu.memory_space<semaphore_mem>>)
      %dma_wait3A_83 = tpu.memref_slice %arg3[%mul3A_2] : memref<16384xi32, #tpu.memory_space<hbm>> -> memref<512xi32, #tpu.memory_space<hbm>>
      %dma_wait3A_84 = tpu.memref_slice %arg3[%mul3A_2] : memref<16384xi32, #tpu.memory_space<hbm>> -> memref<512xi32, #tpu.memory_space<hbm>>
      tpu.wait_dma2 semaphore(%run_scoped3A : memref<!tpu.dma_semaphore, #tpu.memory_space<semaphore_mem>>) src(%dma_wait3A_84 : memref<512xi32, #tpu.memory_space<hbm>>) dst(%arg5 : memref<512xi32, #tpu.memory_space<vmem>>)
      tpu.yield
    }) : () -> ()
    %dma_start3A = arith.constant 0 : i32
    %dma_start3A_3 = tpu.memref_slice %arg5[%dma_start3A] : memref<512xi32, #tpu.memory_space<vmem>> -> memref<128xi32, #tpu.memory_space<vmem>>
    %dma_start3A_4 = arith.constant 0 : i32
    %dma_start3A_5 = arith.constant 0 : i32
    %dma_start3A_6 = tpu.memref_slice %arg2[%dma_start3A_4, %dma_start3A_5] : memref<500000x128xf32, #tpu.memory_space<hbm>> -> memref<500000x128xf32, #tpu.memory_space<hbm>>
    tpu.enqueue_indirect_dma source(%dma_start3A_6 : memref<500000x128xf32, #tpu.memory_space<hbm>>) target(%arg6 : memref<128x128xf32, #tpu.memory_space<vmem>>) offsets(%dma_start3A_3 : memref<128xi32, #tpu.memory_space<vmem>>) semaphore(%arg10 : memref<!tpu.dma_semaphore, #tpu.memory_space<semaphore_mem>>)
    %dma_start3A_7 = arith.constant 128 : i32
    %dma_start3A_8 = tpu.memref_slice %arg5[%dma_start3A_7] : memref<512xi32, #tpu.memory_space<vmem>> -> memref<128xi32, #tpu.memory_space<vmem>>
    %dma_start3A_9 = arith.constant 0 : i32
    %dma_start3A_10 = arith.constant 0 : i32
    %dma_start3A_11 = tpu.memref_slice %arg2[%dma_start3A_9, %dma_start3A_10] : memref<500000x128xf32, #tpu.memory_space<hbm>> -> memref<500000x128xf32, #tpu.memory_space<hbm>>
    tpu.enqueue_indirect_dma source(%dma_start3A_11 : memref<500000x128xf32, #tpu.memory_space<hbm>>) target(%arg7 : memref<128x128xf32, #tpu.memory_space<vmem>>) offsets(%dma_start3A_8 : memref<128xi32, #tpu.memory_space<vmem>>) semaphore(%arg11 : memref<!tpu.dma_semaphore, #tpu.memory_space<semaphore_mem>>)
    %dma_start3A_12 = arith.constant 256 : i32
    %dma_start3A_13 = tpu.memref_slice %arg5[%dma_start3A_12] : memref<512xi32, #tpu.memory_space<vmem>> -> memref<128xi32, #tpu.memory_space<vmem>>
    %dma_start3A_14 = arith.constant 0 : i32
    %dma_start3A_15 = arith.constant 0 : i32
    %dma_start3A_16 = tpu.memref_slice %arg2[%dma_start3A_14, %dma_start3A_15] : memref<500000x128xf32, #tpu.memory_space<hbm>> -> memref<500000x128xf32, #tpu.memory_space<hbm>>
    tpu.enqueue_indirect_dma source(%dma_start3A_16 : memref<500000x128xf32, #tpu.memory_space<hbm>>) target(%arg8 : memref<128x128xf32, #tpu.memory_space<vmem>>) offsets(%dma_start3A_13 : memref<128xi32, #tpu.memory_space<vmem>>) semaphore(%arg12 : memref<!tpu.dma_semaphore, #tpu.memory_space<semaphore_mem>>)
    %dma_start3A_17 = arith.constant 384 : i32
    %dma_start3A_18 = tpu.memref_slice %arg5[%dma_start3A_17] : memref<512xi32, #tpu.memory_space<vmem>> -> memref<128xi32, #tpu.memory_space<vmem>>
    %dma_start3A_19 = arith.constant 0 : i32
    %dma_start3A_20 = arith.constant 0 : i32
    %dma_start3A_21 = tpu.memref_slice %arg2[%dma_start3A_19, %dma_start3A_20] : memref<500000x128xf32, #tpu.memory_space<hbm>> -> memref<500000x128xf32, #tpu.memory_space<hbm>>
    tpu.enqueue_indirect_dma source(%dma_start3A_21 : memref<500000x128xf32, #tpu.memory_space<hbm>>) target(%arg9 : memref<128x128xf32, #tpu.memory_space<vmem>>) offsets(%dma_start3A_18 : memref<128xi32, #tpu.memory_space<vmem>>) semaphore(%arg13 : memref<!tpu.dma_semaphore, #tpu.memory_space<semaphore_mem>>)
    %dma_wait3A = arith.constant 0 : i32
    %dma_wait3A_22 = tpu.memref_slice %arg5[%dma_wait3A] : memref<512xi32, #tpu.memory_space<vmem>> -> memref<128xi32, #tpu.memory_space<vmem>>
    %dma_wait3A_23 = arith.constant 0 : i32
    %dma_wait3A_24 = arith.constant 0 : i32
    %dma_wait3A_25 = tpu.memref_slice %arg2[%dma_wait3A_23, %dma_wait3A_24] : memref<500000x128xf32, #tpu.memory_space<hbm>> -> memref<500000x128xf32, #tpu.memory_space<hbm>>
    tpu.wait_indirect_dma semaphore(%arg10 : memref<!tpu.dma_semaphore, #tpu.memory_space<semaphore_mem>>) src(%dma_wait3A_25 : memref<500000x128xf32, #tpu.memory_space<hbm>>) dst(%arg6 : memref<128x128xf32, #tpu.memory_space<vmem>>)
    %add3A_26 = arith.constant 0 : i32
    %add3A_27 = arith.addi %mul3A_2, %add3A_26 : i32
    %dma_start3A_28 = arith.constant 0 : i32
    %dma_start3A_29 = tpu.memref_slice %arg4[%add3A_27, %dma_start3A_28] : memref<16384x128xf32, #tpu.memory_space<hbm>> -> memref<128x128xf32, #tpu.memory_space<hbm>>
    %dma_start3A_30 = arith.constant 0 : i32
    %dma_start3A_31 = tpu.memref_slice %arg4[%add3A_27, %dma_start3A_30] : memref<16384x128xf32, #tpu.memory_space<hbm>> -> memref<128x128xf32, #tpu.memory_space<hbm>>
    tpu.enqueue_dma source(%arg6 : memref<128x128xf32, #tpu.memory_space<vmem>>) target(%dma_start3A_31 : memref<128x128xf32, #tpu.memory_space<hbm>>) target_semaphore(%arg14 : memref<!tpu.dma_semaphore, #tpu.memory_space<semaphore_mem>>)
    %dma_wait3A_32 = arith.constant 128 : i32
    %dma_wait3A_33 = tpu.memref_slice %arg5[%dma_wait3A_32] : memref<512xi32, #tpu.memory_space<vmem>> -> memref<128xi32, #tpu.memory_space<vmem>>
    %dma_wait3A_34 = arith.constant 0 : i32
    %dma_wait3A_35 = arith.constant 0 : i32
    %dma_wait3A_36 = tpu.memref_slice %arg2[%dma_wait3A_34, %dma_wait3A_35] : memref<500000x128xf32, #tpu.memory_space<hbm>> -> memref<500000x128xf32, #tpu.memory_space<hbm>>
    tpu.wait_indirect_dma semaphore(%arg11 : memref<!tpu.dma_semaphore, #tpu.memory_space<semaphore_mem>>) src(%dma_wait3A_36 : memref<500000x128xf32, #tpu.memory_space<hbm>>) dst(%arg7 : memref<128x128xf32, #tpu.memory_space<vmem>>)
    %add3A_37 = arith.constant 128 : i32
    %add3A_38 = arith.addi %mul3A_2, %add3A_37 : i32
    %dma_start3A_39 = arith.constant 0 : i32
    %dma_start3A_40 = tpu.memref_slice %arg4[%add3A_38, %dma_start3A_39] : memref<16384x128xf32, #tpu.memory_space<hbm>> -> memref<128x128xf32, #tpu.memory_space<hbm>>
    %dma_start3A_41 = arith.constant 0 : i32
    %dma_start3A_42 = tpu.memref_slice %arg4[%add3A_38, %dma_start3A_41] : memref<16384x128xf32, #tpu.memory_space<hbm>> -> memref<128x128xf32, #tpu.memory_space<hbm>>
    tpu.enqueue_dma source(%arg7 : memref<128x128xf32, #tpu.memory_space<vmem>>) target(%dma_start3A_42 : memref<128x128xf32, #tpu.memory_space<hbm>>) target_semaphore(%arg15 : memref<!tpu.dma_semaphore, #tpu.memory_space<semaphore_mem>>)
    %dma_wait3A_43 = arith.constant 256 : i32
    %dma_wait3A_44 = tpu.memref_slice %arg5[%dma_wait3A_43] : memref<512xi32, #tpu.memory_space<vmem>> -> memref<128xi32, #tpu.memory_space<vmem>>
    %dma_wait3A_45 = arith.constant 0 : i32
    %dma_wait3A_46 = arith.constant 0 : i32
    %dma_wait3A_47 = tpu.memref_slice %arg2[%dma_wait3A_45, %dma_wait3A_46] : memref<500000x128xf32, #tpu.memory_space<hbm>> -> memref<500000x128xf32, #tpu.memory_space<hbm>>
    tpu.wait_indirect_dma semaphore(%arg12 : memref<!tpu.dma_semaphore, #tpu.memory_space<semaphore_mem>>) src(%dma_wait3A_47 : memref<500000x128xf32, #tpu.memory_space<hbm>>) dst(%arg8 : memref<128x128xf32, #tpu.memory_space<vmem>>)
    %add3A_48 = arith.constant 256 : i32
    %add3A_49 = arith.addi %mul3A_2, %add3A_48 : i32
    %dma_start3A_50 = arith.constant 0 : i32
    %dma_start3A_51 = tpu.memref_slice %arg4[%add3A_49, %dma_start3A_50] : memref<16384x128xf32, #tpu.memory_space<hbm>> -> memref<128x128xf32, #tpu.memory_space<hbm>>
    %dma_start3A_52 = arith.constant 0 : i32
    %dma_start3A_53 = tpu.memref_slice %arg4[%add3A_49, %dma_start3A_52] : memref<16384x128xf32, #tpu.memory_space<hbm>> -> memref<128x128xf32, #tpu.memory_space<hbm>>
    tpu.enqueue_dma source(%arg8 : memref<128x128xf32, #tpu.memory_space<vmem>>) target(%dma_start3A_53 : memref<128x128xf32, #tpu.memory_space<hbm>>) target_semaphore(%arg16 : memref<!tpu.dma_semaphore, #tpu.memory_space<semaphore_mem>>)
    %dma_wait3A_54 = arith.constant 384 : i32
    %dma_wait3A_55 = tpu.memref_slice %arg5[%dma_wait3A_54] : memref<512xi32, #tpu.memory_space<vmem>> -> memref<128xi32, #tpu.memory_space<vmem>>
    %dma_wait3A_56 = arith.constant 0 : i32
    %dma_wait3A_57 = arith.constant 0 : i32
    %dma_wait3A_58 = tpu.memref_slice %arg2[%dma_wait3A_56, %dma_wait3A_57] : memref<500000x128xf32, #tpu.memory_space<hbm>> -> memref<500000x128xf32, #tpu.memory_space<hbm>>
    tpu.wait_indirect_dma semaphore(%arg13 : memref<!tpu.dma_semaphore, #tpu.memory_space<semaphore_mem>>) src(%dma_wait3A_58 : memref<500000x128xf32, #tpu.memory_space<hbm>>) dst(%arg9 : memref<128x128xf32, #tpu.memory_space<vmem>>)
    %add3A_59 = arith.constant 384 : i32
    %add3A_60 = arith.addi %mul3A_2, %add3A_59 : i32
    %dma_start3A_61 = arith.constant 0 : i32
    %dma_start3A_62 = tpu.memref_slice %arg4[%add3A_60, %dma_start3A_61] : memref<16384x128xf32, #tpu.memory_space<hbm>> -> memref<128x128xf32, #tpu.memory_space<hbm>>
    %dma_start3A_63 = arith.constant 0 : i32
    %dma_start3A_64 = tpu.memref_slice %arg4[%add3A_60, %dma_start3A_63] : memref<16384x128xf32, #tpu.memory_space<hbm>> -> memref<128x128xf32, #tpu.memory_space<hbm>>
    tpu.enqueue_dma source(%arg9 : memref<128x128xf32, #tpu.memory_space<vmem>>) target(%dma_start3A_64 : memref<128x128xf32, #tpu.memory_space<hbm>>) target_semaphore(%arg17 : memref<!tpu.dma_semaphore, #tpu.memory_space<semaphore_mem>>)
    %dma_wait3A_65 = arith.constant 0 : i32
    %dma_wait3A_66 = tpu.memref_slice %arg4[%add3A_27, %dma_wait3A_65] : memref<16384x128xf32, #tpu.memory_space<hbm>> -> memref<128x128xf32, #tpu.memory_space<hbm>>
    %dma_wait3A_67 = arith.constant 0 : i32
    %dma_wait3A_68 = tpu.memref_slice %arg4[%add3A_27, %dma_wait3A_67] : memref<16384x128xf32, #tpu.memory_space<hbm>> -> memref<128x128xf32, #tpu.memory_space<hbm>>
    tpu.wait_dma2 semaphore(%arg14 : memref<!tpu.dma_semaphore, #tpu.memory_space<semaphore_mem>>) src(%arg6 : memref<128x128xf32, #tpu.memory_space<vmem>>) dst(%dma_wait3A_68 : memref<128x128xf32, #tpu.memory_space<hbm>>)
    %dma_wait3A_69 = arith.constant 0 : i32
    %dma_wait3A_70 = tpu.memref_slice %arg4[%add3A_38, %dma_wait3A_69] : memref<16384x128xf32, #tpu.memory_space<hbm>> -> memref<128x128xf32, #tpu.memory_space<hbm>>
    %dma_wait3A_71 = arith.constant 0 : i32
    %dma_wait3A_72 = tpu.memref_slice %arg4[%add3A_38, %dma_wait3A_71] : memref<16384x128xf32, #tpu.memory_space<hbm>> -> memref<128x128xf32, #tpu.memory_space<hbm>>
    tpu.wait_dma2 semaphore(%arg15 : memref<!tpu.dma_semaphore, #tpu.memory_space<semaphore_mem>>) src(%arg7 : memref<128x128xf32, #tpu.memory_space<vmem>>) dst(%dma_wait3A_72 : memref<128x128xf32, #tpu.memory_space<hbm>>)
    %dma_wait3A_73 = arith.constant 0 : i32
    %dma_wait3A_74 = tpu.memref_slice %arg4[%add3A_49, %dma_wait3A_73] : memref<16384x128xf32, #tpu.memory_space<hbm>> -> memref<128x128xf32, #tpu.memory_space<hbm>>
    %dma_wait3A_75 = arith.constant 0 : i32
    %dma_wait3A_76 = tpu.memref_slice %arg4[%add3A_49, %dma_wait3A_75] : memref<16384x128xf32, #tpu.memory_space<hbm>> -> memref<128x128xf32, #tpu.memory_space<hbm>>
    tpu.wait_dma2 semaphore(%arg16 : memref<!tpu.dma_semaphore, #tpu.memory_space<semaphore_mem>>) src(%arg8 : memref<128x128xf32, #tpu.memory_space<vmem>>) dst(%dma_wait3A_76 : memref<128x128xf32, #tpu.memory_space<hbm>>)
    %dma_wait3A_77 = arith.constant 0 : i32
    %dma_wait3A_78 = tpu.memref_slice %arg4[%add3A_60, %dma_wait3A_77] : memref<16384x128xf32, #tpu.memory_space<hbm>> -> memref<128x128xf32, #tpu.memory_space<hbm>>
    %dma_wait3A_79 = arith.constant 0 : i32
    %dma_wait3A_80 = tpu.memref_slice %arg4[%add3A_60, %dma_wait3A_79] : memref<16384x128xf32, #tpu.memory_space<hbm>> -> memref<128x128xf32, #tpu.memory_space<hbm>>
    tpu.wait_dma2 semaphore(%arg17 : memref<!tpu.dma_semaphore, #tpu.memory_space<semaphore_mem>>) src(%arg9 : memref<128x128xf32, #tpu.memory_space<vmem>>) dst(%dma_wait3A_80 : memref<128x128xf32, #tpu.memory_space<hbm>>)
    return
  }
}

module attributes {stable_mosaic.version = 14 : i64} {
  func.func @_tc_body(%arg0: i32, %arg1: memref<2048x1xi32, #tpu.memory_space<vmem>>, %arg2: memref<2048x1xi32, #tpu.memory_space<vmem>>, %arg3: memref<2048x1xi32, #tpu.memory_space<vmem>>, %arg4: memref<2048x1xi32, #tpu.memory_space<vmem>>, %arg5: memref<2048x128xf32, #tpu.memory_space<vmem>>, %arg6: memref<2048x128xf32, #tpu.memory_space<vmem>>, %arg7: memref<2048x128xf32, #tpu.memory_space<vmem>>, %arg8: memref<2048x128xf32, #tpu.memory_space<vmem>>, %arg9: memref<128x64xf32, #tpu.memory_space<vmem>>, %arg10: memref<128x64xf32, #tpu.memory_space<vmem>>, %arg11: memref<2x128xf32, #tpu.memory_space<vmem>>, %arg12: memref<1x1xf32, #tpu.memory_space<vmem>>, %arg13: memref<2048x1xf32, #tpu.memory_space<vmem>>) attributes {dimension_semantics = [#tpu.dimension_semantics<arbitrary>], iteration_bounds = array<i64: 8>, scalar_prefetch = 0 : i64, scratch_operands = 0 : i64, tpu.core_type = #tpu.core_type<tc>, window_params = [{transform_indices = @transform_0, window_bounds = array<i64: 2048, 1>}, {transform_indices = @transform_1, window_bounds = array<i64: 2048, 1>}, {transform_indices = @transform_2, window_bounds = array<i64: 2048, 1>}, {transform_indices = @transform_3, window_bounds = array<i64: 2048, 1>}, {transform_indices = @transform_4, window_bounds = array<i64: 2048, 128>}, {transform_indices = @transform_5, window_bounds = array<i64: 2048, 128>}, {transform_indices = @transform_6, window_bounds = array<i64: 2048, 128>}, {transform_indices = @transform_7, window_bounds = array<i64: 2048, 128>}, {pipeline_mode = #tpu.pipeline_mode<synchronous>, transform_indices = @transform_8, window_bounds = array<i64: 128, 64>}, {pipeline_mode = #tpu.pipeline_mode<synchronous>, transform_indices = @transform_9, window_bounds = array<i64: 128, 64>}, {pipeline_mode = #tpu.pipeline_mode<synchronous>, transform_indices = @transform_10, window_bounds = array<i64: 2, 128>}, {pipeline_mode = #tpu.pipeline_mode<synchronous>, transform_indices = @transform_11, window_bounds = array<i64: 1, 1>}, {transform_indices = @transform_12, window_bounds = array<i64: 2048, 1>}]} {
    %iota3A = tpu.iota {dimensions = array<i32: 1>} : vector<1x128xi32>
    %lt3A = arith.constant 17 : i32
    %lt3A_0 = vector.broadcast %lt3A : i32 to vector<1x128xi32>
    %lt3A_1 = arith.cmpi slt, %iota3A, %lt3A_0 : vector<1x128xi32>
    %sub3A = arith.constant 16 : i32
    %sub3A_2 = vector.broadcast %sub3A : i32 to vector<1x128xi32>
    %sub3A_3 = arith.subi %sub3A_2, %iota3A : vector<1x128xi32>
    %max3A = arith.constant 0 : i32
    %max3A_4 = vector.broadcast %max3A : i32 to vector<1x128xi32>
    %max3A_5 = arith.maxsi %sub3A_3, %max3A_4 : vector<1x128xi32>
    %shift_left3A = arith.constant 1 : i32
    %shift_left3A_6 = vector.broadcast %shift_left3A : i32 to vector<1x128xi32>
    %shift_left3A_7 = arith.shli %shift_left3A_6, %max3A_5 : vector<1x128xi32>
    %jit3A = arith.constant 0 : i32
    %broadcast_in_dim3A = vector.broadcast %jit3A : i32 to vector<1x128xi32>
    %select_n3A = arith.select %lt3A_1, %shift_left3A_7, %broadcast_in_dim3A : vector<1x128xi1>, vector<1x128xi32>
    %get3A = arith.constant 0 : index
    %get3A_8 = arith.constant 0 : index
    %get3A_9 = vector.load %arg3[%get3A, %get3A_8] : memref<2048x1xi32, #tpu.memory_space<vmem>>, vector<2048x1xi32>
    %and3A = vector.broadcast %get3A_9 : vector<2048x1xi32> to vector<2048x128xi32>
    %and3A_10 = vector.broadcast %select_n3A : vector<1x128xi32> to vector<2048x128xi32>
    %and3A_11 = arith.andi %and3A, %and3A_10 : vector<2048x128xi32>
    %ne3A = arith.constant 0 : i32
    %ne3A_12 = vector.broadcast %ne3A : i32 to vector<2048x128xi32>
    %ne3A_13 = arith.cmpi ne, %and3A_11, %ne3A_12 : vector<2048x128xi32>
    %convert_element_type3A = arith.extui %ne3A_13 : vector<2048x128xi1> to vector<2048x128xi32>
    %convert_element_type3A_14 = arith.sitofp %convert_element_type3A : vector<2048x128xi32> to vector<2048x128xf32>
    %get3A_15 = arith.constant 0 : index
    %get3A_16 = arith.constant 0 : index
    %get3A_17 = vector.load %arg4[%get3A_15, %get3A_16] : memref<2048x1xi32, #tpu.memory_space<vmem>>, vector<2048x1xi32>
    %and3A_18 = vector.broadcast %get3A_17 : vector<2048x1xi32> to vector<2048x128xi32>
    %and3A_19 = vector.broadcast %select_n3A : vector<1x128xi32> to vector<2048x128xi32>
    %and3A_20 = arith.andi %and3A_18, %and3A_19 : vector<2048x128xi32>
    %ne3A_21 = arith.constant 0 : i32
    %ne3A_22 = vector.broadcast %ne3A_21 : i32 to vector<2048x128xi32>
    %ne3A_23 = arith.cmpi ne, %and3A_20, %ne3A_22 : vector<2048x128xi32>
    %convert_element_type3A_24 = arith.extui %ne3A_23 : vector<2048x128xi1> to vector<2048x128xi32>
    %convert_element_type3A_25 = arith.sitofp %convert_element_type3A_24 : vector<2048x128xi32> to vector<2048x128xf32>
    %reduce_sum3A = arith.constant dense<0.000000e+00> : vector<2048xf32>
    %reduce_sum3A_26 = vector.multi_reduction <add>, %convert_element_type3A_14, %reduce_sum3A [1] : vector<2048x128xf32> to vector<2048xf32>
    %broadcast_in_dim3A_27 = vector.shape_cast %reduce_sum3A_26 : vector<2048xf32> to vector<2048x1xf32>
    %reduce_sum3A_28 = arith.constant dense<0.000000e+00> : vector<2048xf32>
    %reduce_sum3A_29 = vector.multi_reduction <add>, %convert_element_type3A_25, %reduce_sum3A_28 [1] : vector<2048x128xf32> to vector<2048xf32>
    %broadcast_in_dim3A_30 = vector.shape_cast %reduce_sum3A_29 : vector<2048xf32> to vector<2048x1xf32>
    %get3A_31 = arith.constant 0 : index
    %get3A_32 = arith.constant 0 : index
    %get3A_33 = vector.load %arg11[%get3A_31, %get3A_32] : memref<2x128xf32, #tpu.memory_space<vmem>>, vector<2x128xf32>
    %slice3A = vector.extract_strided_slice %get3A_33 {offsets = [0, 0], sizes = [1, 128], strides = [1, 1]} : vector<2x128xf32> to vector<1x128xf32>
    %mul3A = vector.broadcast %slice3A : vector<1x128xf32> to vector<2048x128xf32>
    %mul3A_34 = arith.mulf %convert_element_type3A_14, %mul3A : vector<2048x128xf32>
    %reduce_sum3A_35 = arith.constant dense<0.000000e+00> : vector<2048xf32>
    %reduce_sum3A_36 = vector.multi_reduction <add>, %mul3A_34, %reduce_sum3A_35 [1] : vector<2048x128xf32> to vector<2048xf32>
    %broadcast_in_dim3A_37 = vector.shape_cast %reduce_sum3A_36 : vector<2048xf32> to vector<2048x1xf32>
    %div3A = arith.divf %broadcast_in_dim3A_37, %broadcast_in_dim3A_27 : vector<2048x1xf32>
    %slice3A_38 = vector.extract_strided_slice %get3A_33 {offsets = [1, 0], sizes = [1, 128], strides = [1, 1]} : vector<2x128xf32> to vector<1x128xf32>
    %mul3A_39 = vector.broadcast %slice3A_38 : vector<1x128xf32> to vector<2048x128xf32>
    %mul3A_40 = arith.mulf %convert_element_type3A_25, %mul3A_39 : vector<2048x128xf32>
    %reduce_sum3A_41 = arith.constant dense<0.000000e+00> : vector<2048xf32>
    %reduce_sum3A_42 = vector.multi_reduction <add>, %mul3A_40, %reduce_sum3A_41 [1] : vector<2048x128xf32> to vector<2048xf32>
    %broadcast_in_dim3A_43 = vector.shape_cast %reduce_sum3A_42 : vector<2048xf32> to vector<2048x1xf32>
    %div3A_44 = arith.divf %broadcast_in_dim3A_43, %broadcast_in_dim3A_30 : vector<2048x1xf32>
    %get3A_45 = arith.constant 0 : index
    %get3A_46 = arith.constant 0 : index
    %get3A_47 = vector.load %arg9[%get3A_45, %get3A_46] : memref<128x64xf32, #tpu.memory_space<vmem>>, vector<128x64xf32>
    %dot_general3A = arith.constant dense<0.000000e+00> : vector<2048x64xf32>
    %dot_general3A_48 = tpu.matmul %convert_element_type3A_14, %get3A_47, %dot_general3A {dimension_numbers = #tpu.dot_dimension_numbers<[1], [0], [0], [1], [0, 0, 1, 1], [], []>, precision = #tpu.contract_precision<fp32>, transpose_lhs_hint = false} : vector<2048x128xf32>, vector<128x64xf32>, vector<2048x64xf32> -> vector<2048x64xf32>
    %div3A_49 = vector.broadcast %broadcast_in_dim3A_27 : vector<2048x1xf32> to vector<2048x64xf32>
    %div3A_50 = arith.divf %dot_general3A_48, %div3A_49 : vector<2048x64xf32>
    %get3A_51 = arith.constant 0 : index
    %get3A_52 = arith.constant 0 : index
    %get3A_53 = vector.load %arg10[%get3A_51, %get3A_52] : memref<128x64xf32, #tpu.memory_space<vmem>>, vector<128x64xf32>
    %dot_general3A_54 = arith.constant dense<0.000000e+00> : vector<2048x64xf32>
    %dot_general3A_55 = tpu.matmul %convert_element_type3A_25, %get3A_53, %dot_general3A_54 {dimension_numbers = #tpu.dot_dimension_numbers<[1], [0], [0], [1], [0, 0, 1, 1], [], []>, precision = #tpu.contract_precision<fp32>, transpose_lhs_hint = false} : vector<2048x128xf32>, vector<128x64xf32>, vector<2048x64xf32> -> vector<2048x64xf32>
    %div3A_56 = vector.broadcast %broadcast_in_dim3A_30 : vector<2048x1xf32> to vector<2048x64xf32>
    %div3A_57 = arith.divf %dot_general3A_55, %div3A_56 : vector<2048x64xf32>
    %get3A_58 = arith.constant 0 : index
    %get3A_59 = arith.constant 0 : index
    %get3A_60 = vector.load %arg1[%get3A_58, %get3A_59] : memref<2048x1xi32, #tpu.memory_space<vmem>>, vector<2048x1xi32>
    %get3A_61 = arith.constant 0 : index
    %get3A_62 = arith.constant 0 : index
    %get3A_63 = vector.load %arg2[%get3A_61, %get3A_62] : memref<2048x1xi32, #tpu.memory_space<vmem>>, vector<2048x1xi32>
    %get3A_64 = arith.constant 0 : index
    %get3A_65 = arith.constant 0 : index
    %get3A_66 = vector.load %arg7[%get3A_64, %get3A_65] : memref<2048x128xf32, #tpu.memory_space<vmem>>, vector<2048x128xf32>
    %and3A_67 = arith.constant 127 : i32
    %and3A_68 = vector.broadcast %and3A_67 : i32 to vector<2048x1xi32>
    %and3A_69 = arith.andi %get3A_60, %and3A_68 : vector<2048x1xi32>
    %eq3A = vector.broadcast %and3A_69 : vector<2048x1xi32> to vector<2048x128xi32>
    %eq3A_70 = vector.broadcast %iota3A : vector<1x128xi32> to vector<2048x128xi32>
    %eq3A_71 = arith.cmpi eq, %eq3A, %eq3A_70 : vector<2048x128xi32>
    %convert_element_type3A_72 = arith.extui %eq3A_71 : vector<2048x128xi1> to vector<2048x128xi32>
    %convert_element_type3A_73 = arith.sitofp %convert_element_type3A_72 : vector<2048x128xi32> to vector<2048x128xf32>
    %mul3A_74 = arith.mulf %get3A_66, %convert_element_type3A_73 : vector<2048x128xf32>
    %reduce_sum3A_75 = arith.constant dense<0.000000e+00> : vector<2048xf32>
    %reduce_sum3A_76 = vector.multi_reduction <add>, %mul3A_74, %reduce_sum3A_75 [1] : vector<2048x128xf32> to vector<2048xf32>
    %broadcast_in_dim3A_77 = vector.shape_cast %reduce_sum3A_76 : vector<2048xf32> to vector<2048x1xf32>
    %get3A_78 = arith.constant 0 : index
    %get3A_79 = arith.constant 0 : index
    %get3A_80 = vector.load %arg8[%get3A_78, %get3A_79] : memref<2048x128xf32, #tpu.memory_space<vmem>>, vector<2048x128xf32>
    %and3A_81 = arith.constant 127 : i32
    %and3A_82 = vector.broadcast %and3A_81 : i32 to vector<2048x1xi32>
    %and3A_83 = arith.andi %get3A_63, %and3A_82 : vector<2048x1xi32>
    %eq3A_84 = vector.broadcast %and3A_83 : vector<2048x1xi32> to vector<2048x128xi32>
    %eq3A_85 = vector.broadcast %iota3A : vector<1x128xi32> to vector<2048x128xi32>
    %eq3A_86 = arith.cmpi eq, %eq3A_84, %eq3A_85 : vector<2048x128xi32>
    %convert_element_type3A_87 = arith.extui %eq3A_86 : vector<2048x128xi1> to vector<2048x128xi32>
    %convert_element_type3A_88 = arith.sitofp %convert_element_type3A_87 : vector<2048x128xi32> to vector<2048x128xf32>
    %mul3A_89 = arith.mulf %get3A_80, %convert_element_type3A_88 : vector<2048x128xf32>
    %reduce_sum3A_90 = arith.constant dense<0.000000e+00> : vector<2048xf32>
    %reduce_sum3A_91 = vector.multi_reduction <add>, %mul3A_89, %reduce_sum3A_90 [1] : vector<2048x128xf32> to vector<2048xf32>
    %broadcast_in_dim3A_92 = vector.shape_cast %reduce_sum3A_91 : vector<2048xf32> to vector<2048x1xf32>
    %get3A_93 = arith.constant 0 : index
    %get3A_94 = arith.constant 0 : index
    %get3A_95 = vector.load %arg5[%get3A_93, %get3A_94] : memref<2048x128xf32, #tpu.memory_space<vmem>>, vector<2048x128xf32>
    %get3A_96 = arith.constant 0 : index
    %get3A_97 = arith.constant 0 : index
    %get3A_98 = vector.load %arg6[%get3A_96, %get3A_97] : memref<2048x128xf32, #tpu.memory_space<vmem>>, vector<2048x128xf32>
    %and3A_99 = arith.constant 1 : i32
    %and3A_100 = vector.broadcast %and3A_99 : i32 to vector<2048x1xi32>
    %and3A_101 = arith.andi %get3A_60, %and3A_100 : vector<2048x1xi32>
    %eq3A_102 = arith.constant 0 : i32
    %eq3A_103 = vector.broadcast %eq3A_102 : i32 to vector<2048x1xi32>
    %eq3A_104 = arith.cmpi eq, %and3A_101, %eq3A_103 : vector<2048x1xi32>
    %slice3A_105 = vector.extract_strided_slice %get3A_95 {offsets = [0, 0], sizes = [2048, 64], strides = [1, 1]} : vector<2048x128xf32> to vector<2048x64xf32>
    %slice3A_106 = vector.extract_strided_slice %get3A_95 {offsets = [0, 64], sizes = [2048, 64], strides = [1, 1]} : vector<2048x128xf32> to vector<2048x64xf32>
    %broadcast_in_dim3A_107 = vector.shape_cast %eq3A_104 : vector<2048x1xi1> to vector<2048x1xi1>
    %broadcast_in_dim3A_108 = vector.broadcast %broadcast_in_dim3A_107 : vector<2048x1xi1> to vector<2048x64xi1>
    %select_n3A_109 = arith.select %broadcast_in_dim3A_108, %slice3A_105, %slice3A_106 : vector<2048x64xi1>, vector<2048x64xf32>
    %and3A_110 = arith.constant 1 : i32
    %and3A_111 = vector.broadcast %and3A_110 : i32 to vector<2048x1xi32>
    %and3A_112 = arith.andi %get3A_63, %and3A_111 : vector<2048x1xi32>
    %eq3A_113 = arith.constant 0 : i32
    %eq3A_114 = vector.broadcast %eq3A_113 : i32 to vector<2048x1xi32>
    %eq3A_115 = arith.cmpi eq, %and3A_112, %eq3A_114 : vector<2048x1xi32>
    %slice3A_116 = vector.extract_strided_slice %get3A_98 {offsets = [0, 0], sizes = [2048, 64], strides = [1, 1]} : vector<2048x128xf32> to vector<2048x64xf32>
    %slice3A_117 = vector.extract_strided_slice %get3A_98 {offsets = [0, 64], sizes = [2048, 64], strides = [1, 1]} : vector<2048x128xf32> to vector<2048x64xf32>
    %broadcast_in_dim3A_118 = vector.shape_cast %eq3A_115 : vector<2048x1xi1> to vector<2048x1xi1>
    %broadcast_in_dim3A_119 = vector.broadcast %broadcast_in_dim3A_118 : vector<2048x1xi1> to vector<2048x64xi1>
    %select_n3A_120 = arith.select %broadcast_in_dim3A_119, %slice3A_116, %slice3A_117 : vector<2048x64xi1>, vector<2048x64xf32>
    %add3A = arith.addf %select_n3A_109, %select_n3A_120 : vector<2048x64xf32>
    %add3A_121 = arith.addf %add3A, %div3A_50 : vector<2048x64xf32>
    %add3A_122 = arith.addf %add3A_121, %div3A_57 : vector<2048x64xf32>
    %mul3A_123 = arith.mulf %add3A_122, %add3A_122 : vector<2048x64xf32>
    %mul3A_124 = arith.mulf %select_n3A_109, %select_n3A_109 : vector<2048x64xf32>
    %mul3A_125 = arith.mulf %select_n3A_120, %select_n3A_120 : vector<2048x64xf32>
    %add3A_126 = arith.addf %mul3A_124, %mul3A_125 : vector<2048x64xf32>
    %mul3A_127 = arith.mulf %div3A_50, %div3A_50 : vector<2048x64xf32>
    %add3A_128 = arith.addf %add3A_126, %mul3A_127 : vector<2048x64xf32>
    %mul3A_129 = arith.mulf %div3A_57, %div3A_57 : vector<2048x64xf32>
    %add3A_130 = arith.addf %add3A_128, %mul3A_129 : vector<2048x64xf32>
    %sub3A_131 = arith.subf %mul3A_123, %add3A_130 : vector<2048x64xf32>
    %reduce_sum3A_132 = arith.constant dense<0.000000e+00> : vector<2048xf32>
    %reduce_sum3A_133 = vector.multi_reduction <add>, %sub3A_131, %reduce_sum3A_132 [1] : vector<2048x64xf32> to vector<2048xf32>
    %broadcast_in_dim3A_134 = vector.shape_cast %reduce_sum3A_133 : vector<2048xf32> to vector<2048x1xf32>
    %mul3A_135 = arith.constant 5.000000e-01 : f32
    %mul3A_136 = vector.broadcast %mul3A_135 : f32 to vector<2048x1xf32>
    %mul3A_137 = arith.mulf %mul3A_136, %broadcast_in_dim3A_134 : vector<2048x1xf32>
    %get3A_138 = arith.constant 0 : index
    %get3A_139 = arith.constant 0 : index
    %get3A_140 = vector.load %arg12[%get3A_138, %get3A_139] : memref<1x1xf32, #tpu.memory_space<vmem>>, vector<1x1xf32>
    %get3A_141 = vector.extract %get3A_140[0, 0] : f32 from vector<1x1xf32>
    %add3A_142 = vector.broadcast %get3A_141 : f32 to vector<2048x1xf32>
    %add3A_143 = arith.addf %add3A_142, %broadcast_in_dim3A_77 : vector<2048x1xf32>
    %add3A_144 = arith.addf %add3A_143, %broadcast_in_dim3A_92 : vector<2048x1xf32>
    %add3A_145 = arith.addf %add3A_144, %div3A : vector<2048x1xf32>
    %add3A_146 = arith.addf %add3A_145, %div3A_44 : vector<2048x1xf32>
    %add3A_147 = arith.addf %add3A_146, %mul3A_137 : vector<2048x1xf32>
    %swap3A = arith.constant 0 : index
    %swap3A_148 = arith.constant 0 : index
    %swap3A_149 = vector.load %arg13[%swap3A, %swap3A_148] : memref<2048x1xf32, #tpu.memory_space<vmem>>, vector<2048x1xf32>
    tpu.vector_store %arg13[%swap3A, %swap3A_148], %add3A_147 {strides = array<i32>} : memref<2048x1xf32, #tpu.memory_space<vmem>>, vector<2048x1xf32>,
    return
  }
  func.func @transform_0(%arg0: i32) -> (i32, i32) {
    %c0_i32 = arith.constant 0 : i32
    %c0_i32_0 = arith.constant 0 : i32
    return %arg0, %c0_i32 : i32, i32
  }
  func.func @transform_1(%arg0: i32) -> (i32, i32) {
    %c0_i32 = arith.constant 0 : i32
    %c0_i32_0 = arith.constant 0 : i32
    return %arg0, %c0_i32 : i32, i32
  }
  func.func @transform_2(%arg0: i32) -> (i32, i32) {
    %c0_i32 = arith.constant 0 : i32
    %c0_i32_0 = arith.constant 0 : i32
    return %arg0, %c0_i32 : i32, i32
  }
  func.func @transform_3(%arg0: i32) -> (i32, i32) {
    %c0_i32 = arith.constant 0 : i32
    %c0_i32_0 = arith.constant 0 : i32
    return %arg0, %c0_i32 : i32, i32
  }
  func.func @transform_4(%arg0: i32) -> (i32, i32) {
    %c0_i32 = arith.constant 0 : i32
    %c0_i32_0 = arith.constant 0 : i32
    return %arg0, %c0_i32 : i32, i32
  }
  func.func @transform_5(%arg0: i32) -> (i32, i32) {
    %c0_i32 = arith.constant 0 : i32
    %c0_i32_0 = arith.constant 0 : i32
    return %arg0, %c0_i32 : i32, i32
  }
  func.func @transform_6(%arg0: i32) -> (i32, i32) {
    %c0_i32 = arith.constant 0 : i32
    %c0_i32_0 = arith.constant 0 : i32
    return %arg0, %c0_i32 : i32, i32
  }
  func.func @transform_7(%arg0: i32) -> (i32, i32) {
    %c0_i32 = arith.constant 0 : i32
    %c0_i32_0 = arith.constant 0 : i32
    return %arg0, %c0_i32 : i32, i32
  }
  func.func @transform_8(%arg0: i32) -> (i32, i32) {
    %c0_i32 = arith.constant 0 : i32
    %c0_i32_0 = arith.constant 0 : i32
    %c0_i32_1 = arith.constant 0 : i32
    return %c0_i32, %c0_i32_0 : i32, i32
  }
  func.func @transform_9(%arg0: i32) -> (i32, i32) {
    %c0_i32 = arith.constant 0 : i32
    %c0_i32_0 = arith.constant 0 : i32
    %c0_i32_1 = arith.constant 0 : i32
    return %c0_i32, %c0_i32_0 : i32, i32
  }
  func.func @transform_10(%arg0: i32) -> (i32, i32) {
    %c0_i32 = arith.constant 0 : i32
    %c0_i32_0 = arith.constant 0 : i32
    %c0_i32_1 = arith.constant 0 : i32
    return %c0_i32, %c0_i32_0 : i32, i32
  }
  func.func @transform_11(%arg0: i32) -> (i32, i32) {
    %c0_i32 = arith.constant 0 : i32
    %c0_i32_0 = arith.constant 0 : i32
    %c0_i32_1 = arith.constant 0 : i32
    return %c0_i32, %c0_i32_0 : i32, i32
  }
  func.func @transform_12(%arg0: i32) -> (i32, i32) {
    %c0_i32 = arith.constant 0 : i32
    %c0_i32_0 = arith.constant 0 : i32
    return %arg0, %c0_i32 : i32, i32
  }
}

</mosaic_0001>

<sc_bundles>
// kernel: sc_small_gather.3.cloned.1.call-start
scs
__scs_entry_jumppad:
0x0: {  	(pc) =	sbr.rel $0x88, $3  }
0x1: {  	(tag) =	ssettag $0x0;
	lr =	simm.s32 $0x1  }
0x2: {  	[smem:$0x3F97] =	sst lr;
	_ =	strace $0xD0000000  }
0x3: {  	_ = 	snop  }
0x4: {  	_ = 	snop  }
0x5: {  	_ = 	snop  }
0x6: {  	_ = 	snop  }
0x7: {  	_ = 	snop  }
__scs_overlays_trampoline_lowered:
0x8: {  	[smem:$0x3FA6] =	sst s0  }
0x9: {  	[smem:$0x3FA7] =	sst s1  }
0xa: {  	[smem:$0x3FA8] =	sst s2  }
0xb: {  	[smem:$0x3FA9] =	sst s3  }
0xc: {  	[smem:$0x3FAA] =	sst s4  }
0xd: {  	[smem:$0x3FAB] =	sst s5  }
0xe: {  	[smem:$0x3FAC] =	sst s6  }
0xf: {  	[smem:$0x3FAD] =	sst s7  }
0x10: {  	[smem:$0x3FAE] =	sst s8  }
0x11: {  	[smem:$0x3FAF] =	sst s9;
	s0 =	simm.s32 @!p0 $0x0  }
0x12: {  	s1 =	sld [smem:$0x3F95];
	s0 =	simm.s32 @p0 $0x1  }
0x13: {  	[smem:$0x3FB0] =	sst s0;
	s0 =	simm.s32 @!p1 $0x0  }
0x14: {  	s2 =	sld [smem:$0x3F94];
	s0 =	simm.s32 @p1 $0x1  }
0x15: {  	[smem:$0x3FB1] =	sst s0;
	s0 =	simm.s32 @!p2 $0x0  }
0x16: {  	s3 =	sld [smem:$0x3FDB];
	s0 =	simm.s32 @p2 $0x1  }
0x17: {  	s4 =	simm.s32 $0x1BF5;
	[smem:$0x3FB3] =	sst s0  }
0x18: {  	s0 =	sld [smem:$0x3F96];
	_ =	swait.ge [sflag:s4], $0x0  }
0x19: {  	s7 =	sld [smem:$0x3F97]  }
0x1a: {  	s8 =	sadd.s32 $0xFFFFE003, lr  }
0x1b: {  	s9 =	sadd.s32 $0xFFFFFEF7, lr;
	s5 =	simm.s32 $0xFFFFFFFF;
	p2 =	slt.u32 s8, $0xFFFFF086  }
0x1c: {  	p1 =	slt.u32 s9, $0xF7A;
	s5 =	simm.s32 @!p2 $0x0  }
0x1d: {  	s5 =	simm.s32 @p1 $0x1;
	p0 =	seq.s32 s7, s2  }
0x1e: {  	s7 =	smul.u32 @!p0 $0xF7A, s2;
	p2 =	seq.s32 @!p0 s5, $0x0  }
0x1f: {  	s9 =	smul.u32 $0xF7A, s1;
	s8 =	simm.s32 @!p0 $0x1BF5;
	p2 =	por !p2, p0  }
0x20: {  	[sflag:s8] =	ssyncset.s32 @!p0 $0xFFFFF086;
	s6 =	sadd.s32 @!p0 s3, s7;
	s7 =	simm.s32 @!p0 $0x108  }
0x21: {  	s3 =	sadd.s32 s3, s9;
	s6 =	sadd.s32 @!p0 $0x88, s6;
	s7 =	simm.s32 @p2 $0x1082  }
0x22: {  	[simem:s7], [sflag:s8] =	dma.local @!p0 [hbm:s6], $0xF7A  }
0x23: {  	s9 =	sor.u32 $0xD0000000, s2;
	s6 =	simm.s32 $0x108;
	_ =	swait.ge @!p0 [sflag:s8], $0x0  }
0x24: {  	s3 =	sadd.s32 $0x88, s3;
	s6 =	simm.s32 @!p1 $0x1082;
	[sflag:s4] =	ssyncset.s32 $0xFFFFF086  }
0x25: {  	[simem:s6], [sflag:s4] =	dma.local [hbm:s3], $0xF7A  }
0x26: {  	[smem:$0x3F97] =	sst s1;
	(tag) =	ssettag s2;
	_ =	strace s9  }
0x27: {  	s1 =	sld [smem:$0x3FA7]  }
0x28: {  	s2 =	sld [smem:$0x3FA8]  }
0x29: {  	s4 =	sld [smem:$0x3FAA]  }
0x2a: {  	p0 =	seq.s32 s5, $0x0;
	s5 =	sld [smem:$0x3FAB]  }
0x2b: {  	s6 =	sld [smem:$0x3FAC]  }
0x2c: {  	s7 =	sld [smem:$0x3FAD]  }
0x2d: {  	s3 =	simm.s32 $0x108;
	s8 =	sld [smem:$0x3FAE]  }
0x2e: {  	s3 =	simm.s32 @!p0 $0x1082;
	s9 =	sld [smem:$0x3FAF]  }
0x2f: {  	lr =	sadd.s32 s0, s3;
	s0 =	sld [smem:$0x3FA6]  }
0x30: {  	s3 =	sld [smem:$0x3FA9]  }
0x31: {  	[smem:$0x3FB2] =	sst s10  }
0x32: {  	s10 =	sld [smem:$0x3FB0];
	_ =	sdelay $0x3  }
0x33: {  	p0 =	seq.s32 s10, $0x1;
	s10 =	sld [smem:$0x3FB2];
	_ =	sdelay $0x3  }
0x34: {  	[smem:$0x3FB2] =	sst s10  }
0x35: {  	s10 =	sld [smem:$0x3FB1];
	_ =	sdelay $0x3  }
0x36: {  	p1 =	seq.s32 s10, $0x1;
	s10 =	sld [smem:$0x3FB2];
	_ =	sdelay $0x3  }
0x37: {  	[smem:$0x3FB2] =	sst s10  }
0x38: {  	s10 =	sld [smem:$0x3FB3]  }
0x39: {  	_ = 	snop;
	(pc) =	sbr.ind lr, $3  }
0x3a: {  	_ = 	snop  }
0x3b: {  	_ = 	snop  }
0x3c: {  	p2 =	seq.s32 s10, $0x1;
	s10 =	sld [smem:$0x3FB2]  }
0x3d: {  	_ =	shalt  }
0x3e: {  	_ =	shalt  }
0x3f: {  	_ =	shalt  }
0x40: {  	_ =	shalt  }
0x41: {  	_ =	shalt  }
0x42: {  	_ =	shalt  }
0x43: {  	_ =	shalt  }
0x44: {  	_ =	shalt  }
0x45: {  	_ =	shalt  }
0x46: {  	_ =	shalt  }
0x47: {  	_ =	shalt  }
0x48: {  	_ =	shalt  }
0x49: {  	_ =	shalt  }
0x4a: {  	_ =	shalt  }
0x4b: {  	_ =	shalt  }
0x4c: {  	_ =	shalt  }
0x4d: {  	_ =	shalt  }
0x4e: {  	_ =	shalt  }
0x4f: {  	_ =	shalt  }
0x50: {  	_ =	shalt  }
0x51: {  	_ =	shalt  }
0x52: {  	_ =	shalt  }
0x53: {  	_ =	shalt  }
0x54: {  	_ =	shalt  }
0x55: {  	_ =	shalt  }
0x56: {  	_ =	shalt  }
0x57: {  	_ =	shalt  }
0x58: {  	_ =	shalt  }
0x59: {  	_ =	shalt  }
0x5a: {  	_ =	shalt  }
0x5b: {  	_ =	shalt  }
0x5c: {  	_ =	shalt  }
0x5d: {  	_ =	shalt  }
0x5e: {  	_ =	shalt  }
0x5f: {  	_ =	shalt  }
0x60: {  	_ =	shalt  }
0x61: {  	_ =	shalt  }
0x62: {  	_ =	shalt  }
0x63: {  	_ =	shalt  }
0x64: {  	_ =	shalt  }
0x65: {  	_ =	shalt  }
0x66: {  	_ =	shalt  }
0x67: {  	_ =	shalt  }
0x68: {  	_ =	shalt  }
0x69: {  	_ =	shalt  }
0x6a: {  	_ =	shalt  }
0x6b: {  	_ =	shalt  }
0x6c: {  	_ =	shalt  }
0x6d: {  	_ =	shalt  }
0x6e: {  	_ =	shalt  }
0x6f: {  	_ =	shalt  }
0x70: {  	_ =	shalt  }
0x71: {  	_ =	shalt  }
0x72: {  	_ =	shalt  }
0x73: {  	_ =	shalt  }
0x74: {  	_ =	shalt  }
0x75: {  	_ =	shalt  }
0x76: {  	_ =	shalt  }
0x77: {  	_ =	shalt  }
0x78: {  	_ =	shalt  }
0x79: {  	_ =	shalt  }
0x7a: {  	_ =	shalt  }
0x7b: {  	_ =	shalt  }
0x7c: {  	_ =	shalt  }
0x7d: {  	_ =	shalt  }
0x7e: {  	_ =	shalt  }
0x7f: {  	_ =	shalt  }
0x80: {  	_ =	shalt  }
0x81: {  	_ =	shalt  }
0x82: {  	_ =	shalt  }
0x83: {  	_ =	shalt  }
0x84: {  	_ =	shalt  }
0x85: {  	_ =	shalt  }
0x86: {  	_ =	shalt  }
0x87: {  	_ =	shalt  }
.Lfunc_end0:
.L_simem_size_0:
called_computation_lowered:
.L_overlay_start_0:
0x88: {  	s2 =	sld [smem:$0x3FD9]  }
0x89: {  	s3 =	sld [smem:$0x3FFE];
	_ =	sdelay $0x1  }
0x8a: {  	s1 =	srdreg.scid  }
0x8b: {  	s0 =	sand.u32 $0x1, s1  }
0x8c: {  	s16 =	sshll.u32 s0, $0xA;
	s2 =	sadd.s32 s3, s2  }
0x8d: {  	s2 =	sadd.s32 s2, s16  }
0x8e: {  	[smem:$0x3FBE] =	sst s2  }
0x8f: {  	_ = 	snop  }
0x90: {  	(tm) =	ssettm $0x1  }
0x91: {  	s17 =	sld [smem:$0x3FFB];
	_ =	sdelay $0x3  }
0x92: {  	_ =	strace s17  }
0x93: {  	s2 =	sld [smem:$0x3FFC];
	_ =	sdelay $0x3  }
0x94: {  	_ =	strace s2  }
0x95: {  	s2 =	sld [smem:$0x3FFD];
	_ =	sdelay $0x3  }
0x96: {  	_ =	strace s2  }
0x97: {  	_ =	strace $0x8FFFFFFF  }
0x98: {  	s18 =	sld [smem:$0x3FDB];
	_ =	sdelay $0x1  }
0x99: {  	s19 =	simm.s32 $_scs_section_size  }
0x9a: {  	s4 =	simm.s32 $_size__tile_overlayer_lowered;
	s5 =	simm.s32 $_tile_overlayer_lowered  }
0x9b: {  	s22 =	simm.s32 $0x1BFF;
	s21 =	sshll.u32 s5, $0x1;
	s2 =	sadd.s32 s19, s18  }
0x9c: {  	s6 =	simm.s32 $0x0;
	s20 =	sshll.u32 s4, $0x1;
	s4 =	sadd.s32 s21, s2  }
0x9d: {  	[timem:s6], [sflag:s22] =	dma.local [hbm:s4], s20  }
0x9e: {  	_ =	swait.ge [sflag:s22], s20  }
0x9f: {  	s3 =	ssub.s32 $0x0, s20;
	[sflag:s22] =	ssyncset.done $0x0  }
0xa0: {  	[sflag:s22] =	ssyncadd.s32 s3;
	_ =	sdelay $0x1  }
0xa1: {  	s23 =	simm.s32 $0x1B8B  }
0xa2: {  	_ =	swait.ge [sflag:s23], $0x1  }
0xa3: {  	[sflag:s23] =	ssyncset.done $0x0  }
0xa4: {  	s25 =	simm.s32 $0x1B8E;
	s24 =	sld [smem:$0x3FFE];
	[sflag:s23] =	ssyncadd.s32 $0xFFFFFFFF  }
0xa5: {  	s26 =	simm.s32 $execute0_lowered;
	[smem:$0x3FD2] =	sst s25  }
0xa6: {  	s4 =	sshll.u32 s26, $0x1;
	_ =	strace $0x80000046;
	[dreg:$0x1] =	wrdreg $0xFFFFFFFF  }
0xa7: {  	s28 =	simm.s32 $_size_execute0_lowered;
	s2 =	sadd.s32 s2, s4;
	[dreg:$0x0] =	wrdreg $0x0  }
0xa8: {  	s4 =	sshll.u32 s28, $0x1;
	[dreg:$0x2] =	wrdreg s2  }
0xa9: {  	[dreg:$0x3] =	wrdreg s4  }
0xaa: {  	[dreg:$0x4] =	wrdreg $0xC0  }
0xab: {  	_ =	task [dreg:s6], $0x5FFFF  }
0xac: {  	[dreg:$0x1] =	wrdreg $0xFFFFFFFF  }
0xad: {  	[dreg:$0x0] =	wrdreg $0x60  }
0xae: {  	[dreg:$0x2] =	wrdreg s24  }
0xaf: {  	[dreg:$0x3] =	wrdreg $0x9  }
0xb0: {  	_ =	task.clear_ibuf [dreg:s6], $0x4FFFF;
	_ =	strace $0x90000046  }
0xb1: {  	s29 =	simm.s32 $0x9;
	_ =	strace $0x80000048  }
0xb2: {  	_ =	swait.ge [sflag:s29], $0x1  }
0xb3: {  	[sflag:s29] =	ssyncadd.s32 $0xFFFFFFFF  }
0xb4: {  	_ =	strace $0x90000048  }
0xb5: {  	_ =	sfence  }
0xb6: {  	s30 =	sld [smem:$0x0];
	_ =	sdelay $0x2  }
0xb7: {  	s31 =	sshll.u32 s1, $0xD;
	s1 =	sshrl.u32 s1, $0x2  }
0xb8: {  	s3 =	sand.u32 $0x4000, s31;
	s1 =	sadd.s32 s1, s30  }
0xb9: {  	s0 =	sor.u32 s3, s0;
	s1 =	sshll.u32 s1, $0x11  }
0xba: {  	s0 =	sor.u32 s1, s0  }
0xbb: {  	s0 =	sadd.s32 $0x8F2B, s0  }
0xbc: {  	[sflag:s0] =	ssyncadd.remote.s32 $0x1  }
0xbd: {  	_ =	sfence.sel $0xFFFF  }
0xbe: {  	[dreg:$0x0] =	wrdreg $0xFFFFFFFF;
	(pc) =	sbr.abs _section_cstart, $3  }
0xbf: {  	[dreg:$0x1] =	wrdreg $0xFFFFFFFF  }
0xc0: {  	_ =	task.clear_ibuf [dreg:s6], $0x2FFFF;
	_ =	strace $0x9FFFFFFF  }
0xc1: {  	(tm) =	ssettm $0x7FFFFFFF  }
tec
execute0_lowered:
.L_overlay_start_1:
0x0: {  	(tag) =	ssettag $0x1  }
0x1: {  	s0 =	srdreg.scid  }
0x2: {  	s1 =	stileid.u32;
	s3 =	rddreg [dreg:$0x0]  }
0x3: {  	s31 =	simm.s32 $0x9;
	s29 =	simm.s32 $0x200;
	s30 =	simm.s32 $0x400  }
0x4: {  	s9 =	simm.s32 $0x8600;
	s28 =	simm.s32 $0x280;
	p0 =	por $0x0, $0x0  }
0x5: {  	s0 =	sand.u32 $0x1, s0;
	s1 =	sshll.u32 s1, $0xA;
	s6 =	sadd.s32 $0x26C00, s3  }
0x6: {  	s12 =	sadd.s32 $0x66C00, s3;
	s7 =	sadd.s32 $0xA6C00, s3;
	s13 =	sadd.s32 $0x189A00, s3  }
0x7: {  	s10 =	sadd.s32 $0x3000, s3;
	s2 =	sshll.u32 s0, $0x9;
	s0 =	ssub.s32 $0x2, s0  }
0x8: {  	s1 =	sor.u32 s2, s1;
	s2 =	simm.s32 $0x0;
	s25 =	sshrl.u32 s0, $0x1  }
0x9: {  	s4 =	sshrl.u32 s1, $0x3;
	[smem:$0x7FF] =	sst s2;
	s1 =	sshll.u32 s1, $0x4  }
0xa: {  	s0 =	ssub.s32 s0, s25;
	s25 =	simm.s32 $0x100;
	s14 =	sadd.s32 s6, s1  }
0xb: {  	_ =	strace $0x80000047;
	s15 =	sadd.s32 s12, s1;
	[dreg:$0x5] =	wrdreg s14  }
0xc: {  	s4 =	sadd.s32 s4, s3;
	s16 =	sadd.s32 s7, s1;
	[dreg:$0x6] =	wrdreg s15  }
0xd: {  	s8 =	sor.u32 $0x800, s1;
	s5 =	sadd.s32 $0x25400, s4;
	[dreg:$0x7] =	wrdreg s16  }
0xe: {  	s20 =	sor.u32 $0x1000, s1;
	s11 =	sadd.s32 $0x25C00, s4;
	[dreg:$0x2] =	wrdreg s5  }
0xf: {  	s1 =	sor.u32 $0x1800, s1;
	s4 =	sadd.s32 $0x24C00, s4;
	[dreg:$0x3] =	wrdreg s11  }
0x10: {  	s0 =	smax.u32 s0, $0x1;
	s17 =	sadd.s32 s6, s8;
	[dreg:$0x4] =	wrdreg s4  }
0x11: {  	s18 =	sadd.s32 s12, s8;
	s19 =	sadd.s32 s7, s8;
	[dreg:$0x8] =	wrdreg s17  }
0x12: {  	s21 =	sadd.s32 s6, s20;
	s22 =	sadd.s32 s12, s20;
	[dreg:$0x9] =	wrdreg s18  }
0x13: {  	s23 =	sadd.s32 s7, s20;
	s24 =	sadd.s32 s6, s1;
	[dreg:$0xa] =	wrdreg s19  }
0x14: {  	s26 =	sadd.s32 s12, s1;
	s14 =	simm.s32 $0x600;
	[dreg:$0xb] =	wrdreg s21  }
0x15: {  	s12 =	simm.s32 $0x4600;
	s16 =	simm.s32 $0x3;
	[dreg:$0xc] =	wrdreg s22  }
0x16: {  	s6 =	simm.s32 $0x7;
	s15 =	simm.s32 $0x4;
	[dreg:$0xd] =	wrdreg s23  }
0x17: {  	p1 =	sne.s32 s0, $0x1;
	s8 =	simm.s32 $0x8;
	[dreg:$0xe] =	wrdreg s24  }
0x18: {  	s20 =	simm.s32 $0x580;
	s11 =	sadd.s32 $0x21A00, s3;
	[dreg:$0xf] =	wrdreg s26  }
.Ltmp0:
0x19: {  	s3 =	sadd.s32 s7, s1;
	s18 =	simm.s32 $0x80;
	(pc) =	sbr.rel @!p1 .LBB2_3-.Ltmp0, $4  }
0x1a: {  	s7 =	simm.s32 $0xC600;
	s19 =	simm.s32 $0x1;
	s4 =	simm.s32 $0x5  }
0x1b: {  	s17 =	simm.s32 $0x2;
	s5 =	simm.s32 $0x6;
	s26 =	simm.s32 $0x480  }
0x1c: {  	s1 =	sadd.s32 $0xFFFFFFFF, s0;
	s24 =	simm.s32 $0x300;
	s23 =	simm.s32 $0x500  }
0x1d: {  	s22 =	simm.s32 $0x180;
	s21 =	simm.s32 $0x380;
	s0 =	rddreg [dreg:$0x2]  }
0x1e: {  	[tilespmem:s2], [sflag:$0x9] =	stream.linear.gather [hbm4b:s0+s2], $0x200, $0x38;
	[tilespmem:$0x10600] =	vst v63  }
0x1f: {  	_ =	swait.ge [sflag:s31], $0x200  }
0x20: {  	[sflag:s31] =	ssyncset.done $0x0  }
0x21: {  	s0 =	rddreg [dreg:$0x3];
	[sflag:s31] =	ssyncadd.s32 $0xFFFFFE00  }
0x22: {  	[tilespmem:s29], [sflag:$0x9] =	stream.linear.gather [hbm4b:s0+s2], $0x200, $0x38;
	[tilespmem:$0x10600] =	vst v63  }
0x23: {  	_ =	swait.ge [sflag:s31], $0x200  }
0x24: {  	[sflag:s31] =	ssyncset.done $0x0  }
0x25: {  	s0 =	rddreg [dreg:$0x4];
	[sflag:s31] =	ssyncadd.s32 $0xFFFFFE00  }
0x26: {  	[tilespmem:s30], [sflag:$0x9] =	stream.linear.gather [hbm4b:s0+s2], $0x200, $0x38;
	[tilespmem:$0x10600] =	vst v63  }
0x27: {  	_ =	swait.ge [sflag:s31], $0x200  }
0x28: {  	[sflag:s31] =	ssyncset.done $0x0  }
0x29: {  	[sflag:s31] =	ssyncadd.s32 $0xFFFFFE00  }
0x2a: {  	[tilespmem:s14], [sflag:$0x1] =	stream.indirect.gather [hbm4b:s13+s18], $0x80, s2, s18, $0xb8;
	[tilespmem:$0x10600] =	vst v63  }
0x2b: {  	_ = 	snop  }
0x2c: {  	[tilespmem:s12], [sflag:$0x2] =	stream.indirect.gather [hbm4b:s10+s18], $0x80, s29, s18, $0xb8;
	[tilespmem:$0x10600] =	vst v63  }
0x2d: {  	_ = 	snop  }
0x2e: {  	[tilespmem:s9], [sflag:$0x3] =	stream.indirect.gather [hbm4b:s11+s18], $0x80, s30, s18, $0xb8;
	[tilespmem:$0x10600] =	vst v63  }
0x2f: {  	_ = 	snop  }
0x30: {  	[tilespmem:s7], [sflag:$0x4] =	stream.indirect.gather [hbm4b:s13+s18], $0x80, s18, s18, $0xb8;
	[tilespmem:$0x10600] =	vst v63  }
0x31: {  	_ =	swait.ge [sflag:s19], $0x4000  }
0x32: {  	[sflag:s19] =	ssyncset.done $0x0  }
0x33: {  	s0 =	rddreg [dreg:$0x5];
	[sflag:s19] =	ssyncadd.s32 $0xFFFFC000  }
0x34: {  	[hbm4b:s0+s2] =	stream.linear.scatter [tilespmem:s14], [sflag:$0x5], $0x4000, $0x38;
	[tilespmem:$0x10600] =	vst v63  }
0x35: {  	_ =	swait.ge [sflag:s4], $0x4000  }
0x36: {  	[sflag:s4] =	ssyncset.done $0x0  }
0x37: {  	[sflag:s4] =	ssyncadd.s32 $0xFFFFC000  }
0x38: {  	[tilespmem:s14], [sflag:$0x1] =	stream.indirect.gather [hbm4b:s10+s18], $0x80, s28, s18, $0xb8;
	[tilespmem:$0x10600] =	vst v63  }
0x39: {  	_ =	swait.ge [sflag:s17], $0x4000  }
0x3a: {  	[sflag:s17] =	ssyncset.done $0x0  }
0x3b: {  	s0 =	rddreg [dreg:$0x6];
	[sflag:s17] =	ssyncadd.s32 $0xFFFFC000  }
0x3c: {  	[hbm4b:s0+s2] =	stream.linear.scatter [tilespmem:s12], [sflag:$0x6], $0x4000, $0x38;
	[tilespmem:$0x10600] =	vst v63  }
0x3d: {  	_ =	swait.ge [sflag:s5], $0x4000  }
0x3e: {  	[sflag:s5] =	ssyncset.done $0x0  }
0x3f: {  	[sflag:s5] =	ssyncadd.s32 $0xFFFFC000  }
0x40: {  	[tilespmem:s12], [sflag:$0x2] =	stream.indirect.gather [hbm4b:s11+s18], $0x80, s26, s18, $0xb8;
	[tilespmem:$0x10600] =	vst v63  }
0x41: {  	_ =	swait.ge [sflag:s16], $0x4000  }
0x42: {  	[sflag:s16] =	ssyncset.done $0x0  }
0x43: {  	s0 =	rddreg [dreg:$0x7];
	[sflag:s16] =	ssyncadd.s32 $0xFFFFC000  }
0x44: {  	[hbm4b:s0+s2] =	stream.linear.scatter [tilespmem:s9], [sflag:$0x7], $0x4000, $0x38;
	[tilespmem:$0x10600] =	vst v63  }
0x45: {  	_ =	swait.ge [sflag:s6], $0x4000  }
0x46: {  	[sflag:s6] =	ssyncset.done $0x0  }
0x47: {  	[sflag:s6] =	ssyncadd.s32 $0xFFFFC000  }
0x48: {  	[tilespmem:s9], [sflag:$0x3] =	stream.indirect.gather [hbm4b:s13+s18], $0x80, s25, s18, $0xb8;
	[tilespmem:$0x10600] =	vst v63  }
0x49: {  	_ =	swait.ge [sflag:s15], $0x4000  }
0x4a: {  	[sflag:s15] =	ssyncset.done $0x0  }
0x4b: {  	s0 =	rddreg [dreg:$0x8];
	[sflag:s15] =	ssyncadd.s32 $0xFFFFC000  }
0x4c: {  	[hbm4b:s0+s2] =	stream.linear.scatter [tilespmem:s7], [sflag:$0x8], $0x4000, $0x38;
	[tilespmem:$0x10600] =	vst v63  }
0x4d: {  	_ =	swait.ge [sflag:s8], $0x4000  }
0x4e: {  	[sflag:s8] =	ssyncset.done $0x0  }
0x4f: {  	[sflag:s8] =	ssyncadd.s32 $0xFFFFC000  }
0x50: {  	[tilespmem:s7], [sflag:$0x4] =	stream.indirect.gather [hbm4b:s10+s18], $0x80, s24, s18, $0xb8;
	[tilespmem:$0x10600] =	vst v63  }
0x51: {  	_ =	swait.ge [sflag:s19], $0x4000  }
0x52: {  	[sflag:s19] =	ssyncset.done $0x0  }
0x53: {  	s0 =	rddreg [dreg:$0x9];
	[sflag:s19] =	ssyncadd.s32 $0xFFFFC000  }
0x54: {  	[hbm4b:s0+s2] =	stream.linear.scatter [tilespmem:s14], [sflag:$0x5], $0x4000, $0x38;
	[tilespmem:$0x10600] =	vst v63  }
0x55: {  	_ =	swait.ge [sflag:s4], $0x4000  }
0x56: {  	[sflag:s4] =	ssyncset.done $0x0  }
0x57: {  	[sflag:s4] =	ssyncadd.s32 $0xFFFFC000  }
0x58: {  	[tilespmem:s14], [sflag:$0x1] =	stream.indirect.gather [hbm4b:s11+s18], $0x80, s23, s18, $0xb8;
	[tilespmem:$0x10600] =	vst v63  }
0x59: {  	_ =	swait.ge [sflag:s17], $0x4000  }
0x5a: {  	[sflag:s17] =	ssyncset.done $0x0  }
0x5b: {  	s0 =	rddreg [dreg:$0xa];
	[sflag:s17] =	ssyncadd.s32 $0xFFFFC000  }
0x5c: {  	[hbm4b:s0+s2] =	stream.linear.scatter [tilespmem:s12], [sflag:$0x6], $0x4000, $0x38;
	[tilespmem:$0x10600] =	vst v63  }
0x5d: {  	_ =	swait.ge [sflag:s5], $0x4000  }
0x5e: {  	[sflag:s5] =	ssyncset.done $0x0  }
0x5f: {  	[sflag:s5] =	ssyncadd.s32 $0xFFFFC000  }
0x60: {  	[tilespmem:s12], [sflag:$0x2] =	stream.indirect.gather [hbm4b:s13+s18], $0x80, s22, s18, $0xb8;
	[tilespmem:$0x10600] =	vst v63  }
0x61: {  	_ =	swait.ge [sflag:s16], $0x4000  }
0x62: {  	[sflag:s16] =	ssyncset.done $0x0  }
0x63: {  	s0 =	rddreg [dreg:$0xb];
	[sflag:s16] =	ssyncadd.s32 $0xFFFFC000  }
0x64: {  	[hbm4b:s0+s2] =	stream.linear.scatter [tilespmem:s9], [sflag:$0x7], $0x4000, $0x38;
	[tilespmem:$0x10600] =	vst v63  }
0x65: {  	_ =	swait.ge [sflag:s6], $0x4000  }
0x66: {  	[sflag:s6] =	ssyncset.done $0x0  }
0x67: {  	[sflag:s6] =	ssyncadd.s32 $0xFFFFC000  }
0x68: {  	[tilespmem:s9], [sflag:$0x3] =	stream.indirect.gather [hbm4b:s10+s18], $0x80, s21, s18, $0xb8;
	[tilespmem:$0x10600] =	vst v63  }
0x69: {  	_ =	swait.ge [sflag:s15], $0x4000  }
0x6a: {  	[sflag:s15] =	ssyncset.done $0x0  }
0x6b: {  	s0 =	rddreg [dreg:$0xc];
	[sflag:s15] =	ssyncadd.s32 $0xFFFFC000  }
0x6c: {  	[hbm4b:s0+s2] =	stream.linear.scatter [tilespmem:s7], [sflag:$0x8], $0x4000, $0x38;
	[tilespmem:$0x10600] =	vst v63  }
0x6d: {  	_ =	swait.ge [sflag:s8], $0x4000  }
0x6e: {  	[sflag:s8] =	ssyncset.done $0x0  }
0x6f: {  	[sflag:s8] =	ssyncadd.s32 $0xFFFFC000  }
0x70: {  	[tilespmem:s7], [sflag:$0x4] =	stream.indirect.gather [hbm4b:s11+s18], $0x80, s20, s18, $0xb8;
	[tilespmem:$0x10600] =	vst v63  }
0x71: {  	_ =	swait.ge [sflag:s19], $0x4000  }
0x72: {  	[sflag:s19] =	ssyncset.done $0x0  }
0x73: {  	s0 =	rddreg [dreg:$0xd];
	[sflag:s19] =	ssyncadd.s32 $0xFFFFC000  }
0x74: {  	[hbm4b:s0+s2] =	stream.linear.scatter [tilespmem:s14], [sflag:$0x5], $0x4000, $0x38;
	[tilespmem:$0x10600] =	vst v63  }
0x75: {  	_ =	swait.ge [sflag:s17], $0x4000  }
0x76: {  	[sflag:s17] =	ssyncset.done $0x0  }
0x77: {  	s0 =	rddreg [dreg:$0xe];
	[sflag:s17] =	ssyncadd.s32 $0xFFFFC000  }
0x78: {  	[hbm4b:s0+s2] =	stream.linear.scatter [tilespmem:s12], [sflag:$0x6], $0x4000, $0x38;
	[tilespmem:$0x10600] =	vst v63  }
0x79: {  	_ =	swait.ge [sflag:s16], $0x4000  }
0x7a: {  	[sflag:s16] =	ssyncset.done $0x0  }
0x7b: {  	s0 =	rddreg [dreg:$0xf];
	[sflag:s16] =	ssyncadd.s32 $0xFFFFC000  }
0x7c: {  	[hbm4b:s0+s2] =	stream.linear.scatter [tilespmem:s9], [sflag:$0x7], $0x4000, $0x38;
	[tilespmem:$0x10600] =	vst v63  }
0x7d: {  	_ =	swait.ge [sflag:s15], $0x4000  }
0x7e: {  	[sflag:s15] =	ssyncset.done $0x0  }
0x7f: {  	[sflag:s15] =	ssyncadd.s32 $0xFFFFC000  }
0x80: {  	[hbm4b:s3+s2] =	stream.linear.scatter [tilespmem:s7], [sflag:$0x8], $0x4000, $0x38;
	[tilespmem:$0x10600] =	vst v63  }
0x81: {  	_ =	swait.ge [sflag:s4], $0x4000  }
0x82: {  	[sflag:s4] =	ssyncset.done $0x0  }
0x83: {  	[sflag:s4] =	ssyncadd.s32 $0xFFFFC000  }
0x84: {  	_ =	swait.ge [sflag:s5], $0x4000  }
0x85: {  	[sflag:s5] =	ssyncset.done $0x0  }
0x86: {  	p1 =	sne.s32 s1, $0x1;
	[sflag:s5] =	ssyncadd.s32 $0xFFFFC000  }
.Ltmp1:
0x87: {  	_ =	swait.ge [sflag:s6], $0x4000;
	(pc) =	sbr.rel @!p1 .LBB2_3-.Ltmp1, $4  }
0x88: {  	[sflag:s6] =	ssyncset.done $0x0  }
0x89: {  	[sflag:s6] =	ssyncadd.s32 $0xFFFFC000  }
0x8a: {  	s1 =	sadd.s32 $0xFFFFFFFF, s1;
	_ =	swait.ge [sflag:s8], $0x4000  }
0x8b: {  	p0 =	por $0x1, $0x1;
	s0 =	rddreg [dreg:$0x2];
	[sflag:s8] =	ssyncset.done $0x0  }
.LBB2_2:
0x8c: {  	[sflag:s8] =	ssyncadd.s32 $0xFFFFC000  }
0x8d: {  	[tilespmem:s2], [sflag:$0x9] =	stream.linear.gather [hbm4b:s0+s2], $0x200, $0x38;
	[tilespmem:$0x10600] =	vst v63  }
0x8e: {  	_ =	swait.ge [sflag:s31], $0x200  }
0x8f: {  	[sflag:s31] =	ssyncset.done $0x0  }
0x90: {  	s0 =	rddreg [dreg:$0x3];
	[sflag:s31] =	ssyncadd.s32 $0xFFFFFE00  }
0x91: {  	[tilespmem:s29], [sflag:$0x9] =	stream.linear.gather [hbm4b:s0+s2], $0x200, $0x38;
	[tilespmem:$0x10600] =	vst v63  }
0x92: {  	_ =	swait.ge [sflag:s31], $0x200  }
0x93: {  	[sflag:s31] =	ssyncset.done $0x0  }
0x94: {  	s0 =	rddreg [dreg:$0x4];
	[sflag:s31] =	ssyncadd.s32 $0xFFFFFE00  }
0x95: {  	[tilespmem:s30], [sflag:$0x9] =	stream.linear.gather [hbm4b:s0+s2], $0x200, $0x38;
	[tilespmem:$0x10600] =	vst v63  }
0x96: {  	_ =	swait.ge [sflag:s31], $0x200  }
0x97: {  	[sflag:s31] =	ssyncset.done $0x0  }
0x98: {  	[sflag:s31] =	ssyncadd.s32 $0xFFFFFE00  }
0x99: {  	[tilespmem:s14], [sflag:$0x1] =	stream.indirect.gather [hbm4b:s13+s18], $0x80, s2, s18, $0xb8;
	[tilespmem:$0x10600] =	vst v63  }
0x9a: {  	_ = 	snop  }
0x9b: {  	[tilespmem:s12], [sflag:$0x2] =	stream.indirect.gather [hbm4b:s10+s18], $0x80, s29, s18, $0xb8;
	[tilespmem:$0x10600] =	vst v63  }
0x9c: {  	_ = 	snop  }
0x9d: {  	[tilespmem:s9], [sflag:$0x3] =	stream.indirect.gather [hbm4b:s11+s18], $0x80, s30, s18, $0xb8;
	[tilespmem:$0x10600] =	vst v63  }
0x9e: {  	_ = 	snop  }
0x9f: {  	[tilespmem:s7], [sflag:$0x4] =	stream.indirect.gather [hbm4b:s13+s18], $0x80, s18, s18, $0xb8;
	[tilespmem:$0x10600] =	vst v63  }
0xa0: {  	_ =	swait.ge [sflag:s19], $0x4000  }
0xa1: {  	[sflag:s19] =	ssyncset.done $0x0  }
0xa2: {  	s0 =	rddreg [dreg:$0x5];
	[sflag:s19] =	ssyncadd.s32 $0xFFFFC000  }
0xa3: {  	[hbm4b:s0+s2] =	stream.linear.scatter [tilespmem:s14], [sflag:$0x5], $0x4000, $0x38;
	[tilespmem:$0x10600] =	vst v63  }
0xa4: {  	_ =	swait.ge [sflag:s4], $0x4000  }
0xa5: {  	[sflag:s4] =	ssyncset.done $0x0  }
0xa6: {  	[sflag:s4] =	ssyncadd.s32 $0xFFFFC000  }
0xa7: {  	[tilespmem:s14], [sflag:$0x1] =	stream.indirect.gather [hbm4b:s10+s18], $0x80, s28, s18, $0xb8;
	[tilespmem:$0x10600] =	vst v63  }
0xa8: {  	_ =	swait.ge [sflag:s17], $0x4000  }
0xa9: {  	[sflag:s17] =	ssyncset.done $0x0  }
0xaa: {  	s0 =	rddreg [dreg:$0x6];
	[sflag:s17] =	ssyncadd.s32 $0xFFFFC000  }
0xab: {  	[hbm4b:s0+s2] =	stream.linear.scatter [tilespmem:s12], [sflag:$0x6], $0x4000, $0x38;
	[tilespmem:$0x10600] =	vst v63  }
0xac: {  	_ =	swait.ge [sflag:s5], $0x4000  }
0xad: {  	[sflag:s5] =	ssyncset.done $0x0  }
0xae: {  	[sflag:s5] =	ssyncadd.s32 $0xFFFFC000  }
0xaf: {  	[tilespmem:s12], [sflag:$0x2] =	stream.indirect.gather [hbm4b:s11+s18], $0x80, s26, s18, $0xb8;
	[tilespmem:$0x10600] =	vst v63  }
0xb0: {  	_ =	swait.ge [sflag:s16], $0x4000  }
0xb1: {  	[sflag:s16] =	ssyncset.done $0x0  }
0xb2: {  	s0 =	rddreg [dreg:$0x7];
	[sflag:s16] =	ssyncadd.s32 $0xFFFFC000  }
0xb3: {  	[hbm4b:s0+s2] =	stream.linear.scatter [tilespmem:s9], [sflag:$0x7], $0x4000, $0x38;
	[tilespmem:$0x10600] =	vst v63  }
0xb4: {  	_ =	swait.ge [sflag:s6], $0x4000  }
0xb5: {  	[sflag:s6] =	ssyncset.done $0x0  }
0xb6: {  	[sflag:s6] =	ssyncadd.s32 $0xFFFFC000  }
0xb7: {  	[tilespmem:s9], [sflag:$0x3] =	stream.indirect.gather [hbm4b:s13+s18], $0x80, s25, s18, $0xb8;
	[tilespmem:$0x10600] =	vst v63  }
0xb8: {  	_ =	swait.ge [sflag:s15], $0x4000  }
0xb9: {  	[sflag:s15] =	ssyncset.done $0x0  }
0xba: {  	s0 =	rddreg [dreg:$0x8];
	[sflag:s15] =	ssyncadd.s32 $0xFFFFC000  }
0xbb: {  	[hbm4b:s0+s2] =	stream.linear.scatter [tilespmem:s7], [sflag:$0x8], $0x4000, $0x38;
	[tilespmem:$0x10600] =	vst v63  }
0xbc: {  	_ =	swait.ge [sflag:s8], $0x4000  }
0xbd: {  	[sflag:s8] =	ssyncset.done $0x0  }
0xbe: {  	[sflag:s8] =	ssyncadd.s32 $0xFFFFC000  }
0xbf: {  	[tilespmem:s7], [sflag:$0x4] =	stream.indirect.gather [hbm4b:s10+s18], $0x80, s24, s18, $0xb8;
	[tilespmem:$0x10600] =	vst v63  }
0xc0: {  	_ =	swait.ge [sflag:s19], $0x4000  }
0xc1: {  	[sflag:s19] =	ssyncset.done $0x0  }
0xc2: {  	s0 =	rddreg [dreg:$0x9];
	[sflag:s19] =	ssyncadd.s32 $0xFFFFC000  }
0xc3: {  	[hbm4b:s0+s2] =	stream.linear.scatter [tilespmem:s14], [sflag:$0x5], $0x4000, $0x38;
	[tilespmem:$0x10600] =	vst v63  }
0xc4: {  	_ =	swait.ge [sflag:s4], $0x4000  }
0xc5: {  	[sflag:s4] =	ssyncset.done $0x0  }
0xc6: {  	[sflag:s4] =	ssyncadd.s32 $0xFFFFC000  }
0xc7: {  	[tilespmem:s14], [sflag:$0x1] =	stream.indirect.gather [hbm4b:s11+s18], $0x80, s23, s18, $0xb8;
	[tilespmem:$0x10600] =	vst v63  }
0xc8: {  	_ =	swait.ge [sflag:s17], $0x4000  }
0xc9: {  	[sflag:s17] =	ssyncset.done $0x0  }
0xca: {  	s0 =	rddreg [dreg:$0xa];
	[sflag:s17] =	ssyncadd.s32 $0xFFFFC000  }
0xcb: {  	[hbm4b:s0+s2] =	stream.linear.scatter [tilespmem:s12], [sflag:$0x6], $0x4000, $0x38;
	[tilespmem:$0x10600] =	vst v63  }
0xcc: {  	_ =	swait.ge [sflag:s5], $0x4000  }
0xcd: {  	[sflag:s5] =	ssyncset.done $0x0  }
0xce: {  	[sflag:s5] =	ssyncadd.s32 $0xFFFFC000  }
0xcf: {  	[tilespmem:s12], [sflag:$0x2] =	stream.indirect.gather [hbm4b:s13+s18], $0x80, s22, s18, $0xb8;
	[tilespmem:$0x10600] =	vst v63  }
0xd0: {  	_ =	swait.ge [sflag:s16], $0x4000  }
0xd1: {  	[sflag:s16] =	ssyncset.done $0x0  }
0xd2: {  	s0 =	rddreg [dreg:$0xb];
	[sflag:s16] =	ssyncadd.s32 $0xFFFFC000  }
0xd3: {  	[hbm4b:s0+s2] =	stream.linear.scatter [tilespmem:s9], [sflag:$0x7], $0x4000, $0x38;
	[tilespmem:$0x10600] =	vst v63  }
0xd4: {  	_ =	swait.ge [sflag:s6], $0x4000  }
0xd5: {  	[sflag:s6] =	ssyncset.done $0x0  }
0xd6: {  	[sflag:s6] =	ssyncadd.s32 $0xFFFFC000  }
0xd7: {  	[tilespmem:s9], [sflag:$0x3] =	stream.indirect.gather [hbm4b:s10+s18], $0x80, s21, s18, $0xb8;
	[tilespmem:$0x10600] =	vst v63  }
0xd8: {  	_ =	swait.ge [sflag:s15], $0x4000  }
0xd9: {  	[sflag:s15] =	ssyncset.done $0x0  }
0xda: {  	s0 =	rddreg [dreg:$0xc];
	[sflag:s15] =	ssyncadd.s32 $0xFFFFC000  }
0xdb: {  	[hbm4b:s0+s2] =	stream.linear.scatter [tilespmem:s7], [sflag:$0x8], $0x4000, $0x38;
	[tilespmem:$0x10600] =	vst v63  }
0xdc: {  	_ =	swait.ge [sflag:s8], $0x4000  }
0xdd: {  	[sflag:s8] =	ssyncset.done $0x0  }
0xde: {  	[sflag:s8] =	ssyncadd.s32 $0xFFFFC000  }
0xdf: {  	[tilespmem:s7], [sflag:$0x4] =	stream.indirect.gather [hbm4b:s11+s18], $0x80, s20, s18, $0xb8;
	[tilespmem:$0x10600] =	vst v63  }
0xe0: {  	_ =	swait.ge [sflag:s19], $0x4000  }
0xe1: {  	[sflag:s19] =	ssyncset.done $0x0  }
0xe2: {  	s0 =	rddreg [dreg:$0xd];
	[sflag:s19] =	ssyncadd.s32 $0xFFFFC000  }
0xe3: {  	[hbm4b:s0+s2] =	stream.linear.scatter [tilespmem:s14], [sflag:$0x5], $0x4000, $0x38;
	[tilespmem:$0x10600] =	vst v63  }
0xe4: {  	_ =	swait.ge [sflag:s17], $0x4000  }
0xe5: {  	[sflag:s17] =	ssyncset.done $0x0  }
0xe6: {  	s0 =	rddreg [dreg:$0xe];
	[sflag:s17] =	ssyncadd.s32 $0xFFFFC000  }
0xe7: {  	[hbm4b:s0+s2] =	stream.linear.scatter [tilespmem:s12], [sflag:$0x6], $0x4000, $0x38;
	[tilespmem:$0x10600] =	vst v63  }
0xe8: {  	_ =	swait.ge [sflag:s16], $0x4000  }
0xe9: {  	[sflag:s16] =	ssyncset.done $0x0  }
0xea: {  	s0 =	rddreg [dreg:$0xf];
	[sflag:s16] =	ssyncadd.s32 $0xFFFFC000  }
0xeb: {  	[hbm4b:s0+s2] =	stream.linear.scatter [tilespmem:s9], [sflag:$0x7], $0x4000, $0x38;
	[tilespmem:$0x10600] =	vst v63  }
0xec: {  	_ =	swait.ge [sflag:s15], $0x4000  }
0xed: {  	[sflag:s15] =	ssyncset.done $0x0  }
0xee: {  	[sflag:s15] =	ssyncadd.s32 $0xFFFFC000  }
0xef: {  	[hbm4b:s3+s2] =	stream.linear.scatter [tilespmem:s7], [sflag:$0x8], $0x4000, $0x38;
	[tilespmem:$0x10600] =	vst v63  }
0xf0: {  	_ =	swait.ge [sflag:s4], $0x4000  }
0xf1: {  	[sflag:s4] =	ssyncset.done $0x0  }
0xf2: {  	[sflag:s4] =	ssyncadd.s32 $0xFFFFC000  }
0xf3: {  	_ =	swait.ge [sflag:s5], $0x4000  }
0xf4: {  	[sflag:s5] =	ssyncset.done $0x0  }
0xf5: {  	p1 =	sne.s32 s1, $0x1;
	[sflag:s5] =	ssyncadd.s32 $0xFFFFC000  }
.Ltmp2:
0xf6: {  	_ =	swait.ge [sflag:s6], $0x4000;
	(pc) =	sbr.rel @p1 .LBB2_2-.Ltmp2, $4  }
0xf7: {  	[sflag:s6] =	ssyncset.done $0x0  }
0xf8: {  	[sflag:s6] =	ssyncadd.s32 $0xFFFFC000  }
0xf9: {  	_ =	swait.ge [sflag:s8], $0x4000  }
0xfa: {  	s1 =	sadd.s32 $0xFFFFFFFF, s1;
	s0 =	rddreg [dreg:$0x2];
	[sflag:s8] =	ssyncset.done $0x0  }
.LBB2_3:
0xfb: {  	[sflag:s8] =	ssyncadd.s32 @p0 $0xFFFFC000  }
0xfc: {  	[tilespmem:s2], [sflag:$0x9] =	stream.linear.gather [hbm4b:s0+s2], $0x200, $0x38;
	[tilespmem:$0x10600] =	vst v63  }
0xfd: {  	_ =	swait.ge [sflag:s31], $0x200  }
0xfe: {  	[sflag:s31] =	ssyncset.done $0x0  }
0xff: {  	s1 =	rddreg [dreg:$0x3];
	[sflag:s31] =	ssyncadd.s32 $0xFFFFFE00  }
0x100: {  	[tilespmem:s29], [sflag:$0x9] =	stream.linear.gather [hbm4b:s1+s2], $0x200, $0x38;
	[tilespmem:$0x10600] =	vst v63  }
0x101: {  	_ =	swait.ge [sflag:s31], $0x200  }
0x102: {  	[sflag:s31] =	ssyncset.done $0x0  }
0x103: {  	s1 =	rddreg [dreg:$0x4];
	[sflag:s31] =	ssyncadd.s32 $0xFFFFFE00  }
0x104: {  	[tilespmem:s30], [sflag:$0x9] =	stream.linear.gather [hbm4b:s1+s2], $0x200, $0x38;
	[tilespmem:$0x10600] =	vst v63  }
0x105: {  	_ =	swait.ge [sflag:s31], $0x200  }
0x106: {  	[sflag:s31] =	ssyncset.done $0x0  }
0x107: {  	[sflag:s31] =	ssyncadd.s32 $0xFFFFFE00  }
0x108: {  	[tilespmem:s14], [sflag:$0x1] =	stream.indirect.gather [hbm4b:s13+s18], $0x80, s2, s18, $0xb8;
	[tilespmem:$0x10600] =	vst v63  }
0x109: {  	_ = 	snop  }
0x10a: {  	[tilespmem:s12], [sflag:$0x2] =	stream.indirect.gather [hbm4b:s10+s18], $0x80, s29, s18, $0xb8;
	[tilespmem:$0x10600] =	vst v63  }
0x10b: {  	_ = 	snop  }
0x10c: {  	[tilespmem:s9], [sflag:$0x3] =	stream.indirect.gather [hbm4b:s11+s18], $0x80, s30, s18, $0xb8;
	[tilespmem:$0x10600] =	vst v63  }
0x10d: {  	_ = 	snop  }
0x10e: {  	[tilespmem:s7], [sflag:$0x4] =	stream.indirect.gather [hbm4b:s13+s18], $0x80, s18, s18, $0xb8;
	[tilespmem:$0x10600] =	vst v63  }
0x10f: {  	_ =	swait.ge [sflag:s19], $0x4000  }
0x110: {  	[sflag:s19] =	ssyncset.done $0x0  }
0x111: {  	s1 =	rddreg [dreg:$0x5];
	[sflag:s19] =	ssyncadd.s32 $0xFFFFC000  }
0x112: {  	[hbm4b:s1+s2] =	stream.linear.scatter [tilespmem:s14], [sflag:$0x5], $0x4000, $0x38;
	[tilespmem:$0x10600] =	vst v63  }
0x113: {  	_ =	swait.ge [sflag:s4], $0x4000  }
0x114: {  	[sflag:s4] =	ssyncset.done $0x0  }
0x115: {  	[sflag:s4] =	ssyncadd.s32 $0xFFFFC000  }
0x116: {  	[tilespmem:s14], [sflag:$0x1] =	stream.indirect.gather [hbm4b:s10+s18], $0x80, s28, s18, $0xb8;
	[tilespmem:$0x10600] =	vst v63  }
0x117: {  	_ =	swait.ge [sflag:s17], $0x4000  }
0x118: {  	[sflag:s17] =	ssyncset.done $0x0  }
0x119: {  	s29 =	rddreg [dreg:$0x6];
	[sflag:s17] =	ssyncadd.s32 $0xFFFFC000  }
0x11a: {  	[hbm4b:s29+s2] =	stream.linear.scatter [tilespmem:s12], [sflag:$0x6], $0x4000, $0x38;
	[tilespmem:$0x10600] =	vst v63  }
0x11b: {  	_ =	swait.ge [sflag:s5], $0x4000  }
0x11c: {  	[sflag:s5] =	ssyncset.done $0x0  }
0x11d: {  	[sflag:s5] =	ssyncadd.s32 $0xFFFFC000  }
0x11e: {  	[tilespmem:s12], [sflag:$0x2] =	stream.indirect.gather [hbm4b:s11+s18], $0x80, s26, s18, $0xb8;
	[tilespmem:$0x10600] =	vst v63  }
0x11f: {  	_ =	swait.ge [sflag:s16], $0x4000  }
0x120: {  	[sflag:s16] =	ssyncset.done $0x0  }
0x121: {  	s30 =	rddreg [dreg:$0x7];
	[sflag:s16] =	ssyncadd.s32 $0xFFFFC000  }
0x122: {  	[hbm4b:s30+s2] =	stream.linear.scatter [tilespmem:s9], [sflag:$0x7], $0x4000, $0x38;
	[tilespmem:$0x10600] =	vst v63  }
0x123: {  	_ =	swait.ge [sflag:s6], $0x4000  }
0x124: {  	[sflag:s6] =	ssyncset.done $0x0  }
0x125: {  	[sflag:s6] =	ssyncadd.s32 $0xFFFFC000  }
0x126: {  	[tilespmem:s9], [sflag:$0x3] =	stream.indirect.gather [hbm4b:s13+s18], $0x80, s25, s18, $0xb8;
	[tilespmem:$0x10600] =	vst v63  }
0x127: {  	_ =	swait.ge [sflag:s15], $0x4000  }
0x128: {  	[sflag:s15] =	ssyncset.done $0x0  }
0x129: {  	s31 =	rddreg [dreg:$0x8];
	[sflag:s15] =	ssyncadd.s32 $0xFFFFC000  }
0x12a: {  	[hbm4b:s31+s2] =	stream.linear.scatter [tilespmem:s7], [sflag:$0x8], $0x4000, $0x38;
	[tilespmem:$0x10600] =	vst v63  }
0x12b: {  	_ =	swait.ge [sflag:s8], $0x4000  }
0x12c: {  	[sflag:s8] =	ssyncset.done $0x0  }
0x12d: {  	[sflag:s8] =	ssyncadd.s32 $0xFFFFC000  }
0x12e: {  	[tilespmem:s7], [sflag:$0x4] =	stream.indirect.gather [hbm4b:s10+s18], $0x80, s24, s18, $0xb8;
	[tilespmem:$0x10600] =	vst v63  }
0x12f: {  	_ =	swait.ge [sflag:s19], $0x4000  }
0x130: {  	[sflag:s19] =	ssyncset.done $0x0  }
0x131: {  	s1 =	rddreg [dreg:$0x9];
	[sflag:s19] =	ssyncadd.s32 $0xFFFFC000  }
0x132: {  	[hbm4b:s1+s2] =	stream.linear.scatter [tilespmem:s14], [sflag:$0x5], $0x4000, $0x38;
	[tilespmem:$0x10600] =	vst v63  }
0x133: {  	_ =	swait.ge [sflag:s4], $0x4000  }
0x134: {  	[sflag:s4] =	ssyncset.done $0x0  }
0x135: {  	[sflag:s4] =	ssyncadd.s32 $0xFFFFC000  }
0x136: {  	[tilespmem:s14], [sflag:$0x1] =	stream.indirect.gather [hbm4b:s11+s18], $0x80, s23, s18, $0xb8;
	[tilespmem:$0x10600] =	vst v63  }
0x137: {  	_ =	swait.ge [sflag:s17], $0x4000  }
0x138: {  	[sflag:s17] =	ssyncset.done $0x0  }
0x139: {  	s24 =	rddreg [dreg:$0xa];
	[sflag:s17] =	ssyncadd.s32 $0xFFFFC000  }
0x13a: {  	[hbm4b:s24+s2] =	stream.linear.scatter [tilespmem:s12], [sflag:$0x6], $0x4000, $0x38;
	[tilespmem:$0x10600] =	vst v63  }
0x13b: {  	_ =	swait.ge [sflag:s5], $0x4000  }
0x13c: {  	[sflag:s5] =	ssyncset.done $0x0  }
0x13d: {  	[sflag:s5] =	ssyncadd.s32 $0xFFFFC000  }
0x13e: {  	[tilespmem:s12], [sflag:$0x2] =	stream.indirect.gather [hbm4b:s13+s18], $0x80, s22, s18, $0xb8;
	[tilespmem:$0x10600] =	vst v63  }
0x13f: {  	_ =	swait.ge [sflag:s16], $0x4000  }
0x140: {  	[sflag:s16] =	ssyncset.done $0x0  }
0x141: {  	s25 =	rddreg [dreg:$0xb];
	[sflag:s16] =	ssyncadd.s32 $0xFFFFC000  }
0x142: {  	[hbm4b:s25+s2] =	stream.linear.scatter [tilespmem:s9], [sflag:$0x7], $0x4000, $0x38;
	[tilespmem:$0x10600] =	vst v63  }
0x143: {  	_ =	swait.ge [sflag:s6], $0x4000  }
0x144: {  	[sflag:s6] =	ssyncset.done $0x0  }
0x145: {  	[sflag:s6] =	ssyncadd.s32 $0xFFFFC000  }
0x146: {  	[tilespmem:s9], [sflag:$0x3] =	stream.indirect.gather [hbm4b:s10+s18], $0x80, s21, s18, $0xb8;
	[tilespmem:$0x10600] =	vst v63  }
0x147: {  	_ =	swait.ge [sflag:s15], $0x4000  }
0x148: {  	[sflag:s15] =	ssyncset.done $0x0  }
0x149: {  	s26 =	rddreg [dreg:$0xc];
	[sflag:s15] =	ssyncadd.s32 $0xFFFFC000  }
0x14a: {  	[hbm4b:s26+s2] =	stream.linear.scatter [tilespmem:s7], [sflag:$0x8], $0x4000, $0x38;
	[tilespmem:$0x10600] =	vst v63  }
0x14b: {  	_ =	swait.ge [sflag:s8], $0x4000  }
0x14c: {  	[sflag:s8] =	ssyncset.done $0x0  }
0x14d: {  	[sflag:s8] =	ssyncadd.s32 $0xFFFFC000  }
0x14e: {  	[tilespmem:s7], [sflag:$0x4] =	stream.indirect.gather [hbm4b:s11+s18], $0x80, s20, s18, $0xb8;
	[tilespmem:$0x10600] =	vst v63  }
0x14f: {  	_ =	swait.ge [sflag:s19], $0x4000  }
0x150: {  	[sflag:s19] =	ssyncset.done $0x0  }
0x151: {  	s28 =	rddreg [dreg:$0xd];
	[sflag:s19] =	ssyncadd.s32 $0xFFFFC000  }
0x152: {  	[hbm4b:s28+s2] =	stream.linear.scatter [tilespmem:s14], [sflag:$0x5], $0x4000, $0x38;
	[tilespmem:$0x10600] =	vst v63  }
0x153: {  	_ =	swait.ge [sflag:s17], $0x4000  }
0x154: {  	[sflag:s17] =	ssyncset.done $0x0  }
0x155: {  	s29 =	rddreg [dreg:$0xe];
	[sflag:s17] =	ssyncadd.s32 $0xFFFFC000  }
0x156: {  	[hbm4b:s29+s2] =	stream.linear.scatter [tilespmem:s12], [sflag:$0x6], $0x4000, $0x38;
	[tilespmem:$0x10600] =	vst v63  }
0x157: {  	_ =	swait.ge [sflag:s16], $0x4000  }
0x158: {  	[sflag:s16] =	ssyncset.done $0x0  }
0x159: {  	s30 =	rddreg [dreg:$0xf];
	[sflag:s16] =	ssyncadd.s32 $0xFFFFC000  }
0x15a: {  	[hbm4b:s30+s2] =	stream.linear.scatter [tilespmem:s9], [sflag:$0x7], $0x4000, $0x38;
	[tilespmem:$0x10600] =	vst v63  }
0x15b: {  	_ =	swait.ge [sflag:s15], $0x4000  }
0x15c: {  	[sflag:s15] =	ssyncset.done $0x0  }
0x15d: {  	[sflag:s15] =	ssyncadd.s32 $0xFFFFC000  }
0x15e: {  	[hbm4b:s3+s2] =	stream.linear.scatter [tilespmem:s7], [sflag:$0x8], $0x4000, $0x38;
	[tilespmem:$0x10600] =	vst v63  }
0x15f: {  	_ =	swait.ge [sflag:s4], $0x4000  }
0x160: {  	[sflag:s4] =	ssyncset.done $0x0  }
0x161: {  	[sflag:s4] =	ssyncadd.s32 $0xFFFFC000  }
0x162: {  	_ =	swait.ge [sflag:s5], $0x4000  }
0x163: {  	[sflag:s5] =	ssyncset.done $0x0  }
0x164: {  	[sflag:s5] =	ssyncadd.s32 $0xFFFFC000  }
0x165: {  	_ =	swait.ge [sflag:s6], $0x4000  }
0x166: {  	[sflag:s6] =	ssyncset.done $0x0  }
0x167: {  	[sflag:s6] =	ssyncadd.s32 $0xFFFFC000  }
0x168: {  	_ =	swait.ge [sflag:s8], $0x4000  }
0x169: {  	[sflag:s8] =	ssyncset.done $0x0  }
0x16a: {  	[sflag:s8] =	ssyncadd.s32 $0xFFFFC000  }
0x16b: {  	_ =	sfence.sel $0x180000  }
0x16c: {  	[bflag:$0x0] =	sbarrier.arrive $0xFFFF  }
0x16d: {  	_ =	strace $0x90000047  }
0x16e: {  	s31 =	stileid.u32;
	[bflag:$0x2] =	sbarrier.arrive $0xFFFF  }
0x16f: {  	p0 =	sne.s32 s31, $0x0;
	s0 =	rddreg [dreg:$0x1]  }
0x170: {  	s0 =	sadd.s32 @!p0 $0x100000, s0  }
0x171: {  	[sflag:s0] =	ssyncadd.tile.s32 @!p0 $0x1;
	_ =	shalt  }
.Lfunc_end2:
_tile_overlayer_lowered:
.L_overlay_start_2:
0x172: {  	(tag) =	ssettag $0x2  }
0x173: {  	s0 =	rddreg [dreg:$0x0];
	s2 =	stileid.u32  }
0x174: {  	s1 =	rddreg [dreg:$0x1];
	p0 =	sne.s32 s2, $0x0  }
0x175: {  	s3 =	rddreg [dreg:$0x2];
	[bflag:$0x3] =	sbarrier.arrive $0xFFFF;
	s2 =	simm.s32 @!p0 $0x1C09  }
0x176: {  	[timem:s3], [sflag:s2] =	dma.local @!p0 [hbm:s0], s1  }
0x177: {  	s0 =	simm.s32 @!p0 $0x9  }
0x178: {  	_ =	swait.ge @!p0 [sflag:s0], s1  }
0x179: {  	s1 =	ssub.s32 @!p0 $0x0, s1;
	[sflag:s0] =	ssyncset.done @!p0 $0x0  }
0x17a: {  	[sflag:s0] =	ssyncadd.s32 @!p0 s1  }
0x17b: {  	[bflag:$0x3] =	sbarrier.arrive $0xFFFF  }
0x17c: {  	_ =	shalt  }

// kernel: sc_u_gather.3.cloned.1.call-start
scs
__scs_entry_jumppad:
0x0: {  	(pc) =	sbr.rel $0x88, $3  }
0x1: {  	(tag) =	ssettag $0x0;
	lr =	simm.s32 $0x1  }
0x2: {  	[smem:$0x3F97] =	sst lr;
	_ =	strace $0xD0000000  }
0x3: {  	_ = 	snop  }
0x4: {  	_ = 	snop  }
0x5: {  	_ = 	snop  }
0x6: {  	_ = 	snop  }
0x7: {  	_ = 	snop  }
__scs_overlays_trampoline_lowered:
0x8: {  	[smem:$0x3FA6] =	sst s0  }
0x9: {  	[smem:$0x3FA7] =	sst s1  }
0xa: {  	[smem:$0x3FA8] =	sst s2  }
0xb: {  	[smem:$0x3FA9] =	sst s3  }
0xc: {  	[smem:$0x3FAA] =	sst s4  }
0xd: {  	[smem:$0x3FAB] =	sst s5  }
0xe: {  	[smem:$0x3FAC] =	sst s6  }
0xf: {  	[smem:$0x3FAD] =	sst s7  }
0x10: {  	[smem:$0x3FAE] =	sst s8  }
0x11: {  	[smem:$0x3FAF] =	sst s9;
	s0 =	simm.s32 @!p0 $0x0  }
0x12: {  	s1 =	sld [smem:$0x3F95];
	s0 =	simm.s32 @p0 $0x1  }
0x13: {  	[smem:$0x3FB0] =	sst s0;
	s0 =	simm.s32 @!p1 $0x0  }
0x14: {  	s2 =	sld [smem:$0x3F94];
	s0 =	simm.s32 @p1 $0x1  }
0x15: {  	[smem:$0x3FB1] =	sst s0;
	s0 =	simm.s32 @!p2 $0x0  }
0x16: {  	s3 =	sld [smem:$0x3FDB];
	s0 =	simm.s32 @p2 $0x1  }
0x17: {  	s4 =	simm.s32 $0x1BF5;
	[smem:$0x3FB3] =	sst s0  }
0x18: {  	s0 =	sld [smem:$0x3F96];
	_ =	swait.ge [sflag:s4], $0x0  }
0x19: {  	s7 =	sld [smem:$0x3F97]  }
0x1a: {  	s8 =	sadd.s32 $0xFFFFE003, lr  }
0x1b: {  	s9 =	sadd.s32 $0xFFFFFEF7, lr;
	s5 =	simm.s32 $0xFFFFFFFF;
	p2 =	slt.u32 s8, $0xFFFFF086  }
0x1c: {  	p1 =	slt.u32 s9, $0xF7A;
	s5 =	simm.s32 @!p2 $0x0  }
0x1d: {  	s5 =	simm.s32 @p1 $0x1;
	p0 =	seq.s32 s7, s2  }
0x1e: {  	s7 =	smul.u32 @!p0 $0xF7A, s2;
	p2 =	seq.s32 @!p0 s5, $0x0  }
0x1f: {  	s9 =	smul.u32 $0xF7A, s1;
	s8 =	simm.s32 @!p0 $0x1BF5;
	p2 =	por !p2, p0  }
0x20: {  	[sflag:s8] =	ssyncset.s32 @!p0 $0xFFFFF086;
	s6 =	sadd.s32 @!p0 s3, s7;
	s7 =	simm.s32 @!p0 $0x108  }
0x21: {  	s3 =	sadd.s32 s3, s9;
	s6 =	sadd.s32 @!p0 $0x88, s6;
	s7 =	simm.s32 @p2 $0x1082  }
0x22: {  	[simem:s7], [sflag:s8] =	dma.local @!p0 [hbm:s6], $0xF7A  }
0x23: {  	s9 =	sor.u32 $0xD0000000, s2;
	s6 =	simm.s32 $0x108;
	_ =	swait.ge @!p0 [sflag:s8], $0x0  }
0x24: {  	s3 =	sadd.s32 $0x88, s3;
	s6 =	simm.s32 @!p1 $0x1082;
	[sflag:s4] =	ssyncset.s32 $0xFFFFF086  }
0x25: {  	[simem:s6], [sflag:s4] =	dma.local [hbm:s3], $0xF7A  }
0x26: {  	[smem:$0x3F97] =	sst s1;
	(tag) =	ssettag s2;
	_ =	strace s9  }
0x27: {  	s1 =	sld [smem:$0x3FA7]  }
0x28: {  	s2 =	sld [smem:$0x3FA8]  }
0x29: {  	s4 =	sld [smem:$0x3FAA]  }
0x2a: {  	p0 =	seq.s32 s5, $0x0;
	s5 =	sld [smem:$0x3FAB]  }
0x2b: {  	s6 =	sld [smem:$0x3FAC]  }
0x2c: {  	s7 =	sld [smem:$0x3FAD]  }
0x2d: {  	s3 =	simm.s32 $0x108;
	s8 =	sld [smem:$0x3FAE]  }
0x2e: {  	s3 =	simm.s32 @!p0 $0x1082;
	s9 =	sld [smem:$0x3FAF]  }
0x2f: {  	lr =	sadd.s32 s0, s3;
	s0 =	sld [smem:$0x3FA6]  }
0x30: {  	s3 =	sld [smem:$0x3FA9]  }
0x31: {  	[smem:$0x3FB2] =	sst s10  }
0x32: {  	s10 =	sld [smem:$0x3FB0];
	_ =	sdelay $0x3  }
0x33: {  	p0 =	seq.s32 s10, $0x1;
	s10 =	sld [smem:$0x3FB2];
	_ =	sdelay $0x3  }
0x34: {  	[smem:$0x3FB2] =	sst s10  }
0x35: {  	s10 =	sld [smem:$0x3FB1];
	_ =	sdelay $0x3  }
0x36: {  	p1 =	seq.s32 s10, $0x1;
	s10 =	sld [smem:$0x3FB2];
	_ =	sdelay $0x3  }
0x37: {  	[smem:$0x3FB2] =	sst s10  }
0x38: {  	s10 =	sld [smem:$0x3FB3]  }
0x39: {  	_ = 	snop;
	(pc) =	sbr.ind lr, $3  }
0x3a: {  	_ = 	snop  }
0x3b: {  	_ = 	snop  }
0x3c: {  	p2 =	seq.s32 s10, $0x1;
	s10 =	sld [smem:$0x3FB2]  }
0x3d: {  	_ =	shalt  }
0x3e: {  	_ =	shalt  }
0x3f: {  	_ =	shalt  }
0x40: {  	_ =	shalt  }
0x41: {  	_ =	shalt  }
0x42: {  	_ =	shalt  }
0x43: {  	_ =	shalt  }
0x44: {  	_ =	shalt  }
0x45: {  	_ =	shalt  }
0x46: {  	_ =	shalt  }
0x47: {  	_ =	shalt  }
0x48: {  	_ =	shalt  }
0x49: {  	_ =	shalt  }
0x4a: {  	_ =	shalt  }
0x4b: {  	_ =	shalt  }
0x4c: {  	_ =	shalt  }
0x4d: {  	_ =	shalt  }
0x4e: {  	_ =	shalt  }
0x4f: {  	_ =	shalt  }
0x50: {  	_ =	shalt  }
0x51: {  	_ =	shalt  }
0x52: {  	_ =	shalt  }
0x53: {  	_ =	shalt  }
0x54: {  	_ =	shalt  }
0x55: {  	_ =	shalt  }
0x56: {  	_ =	shalt  }
0x57: {  	_ =	shalt  }
0x58: {  	_ =	shalt  }
0x59: {  	_ =	shalt  }
0x5a: {  	_ =	shalt  }
0x5b: {  	_ =	shalt  }
0x5c: {  	_ =	shalt  }
0x5d: {  	_ =	shalt  }
0x5e: {  	_ =	shalt  }
0x5f: {  	_ =	shalt  }
0x60: {  	_ =	shalt  }
0x61: {  	_ =	shalt  }
0x62: {  	_ =	shalt  }
0x63: {  	_ =	shalt  }
0x64: {  	_ =	shalt  }
0x65: {  	_ =	shalt  }
0x66: {  	_ =	shalt  }
0x67: {  	_ =	shalt  }
0x68: {  	_ =	shalt  }
0x69: {  	_ =	shalt  }
0x6a: {  	_ =	shalt  }
0x6b: {  	_ =	shalt  }
0x6c: {  	_ =	shalt  }
0x6d: {  	_ =	shalt  }
0x6e: {  	_ =	shalt  }
0x6f: {  	_ =	shalt  }
0x70: {  	_ =	shalt  }
0x71: {  	_ =	shalt  }
0x72: {  	_ =	shalt  }
0x73: {  	_ =	shalt  }
0x74: {  	_ =	shalt  }
0x75: {  	_ =	shalt  }
0x76: {  	_ =	shalt  }
0x77: {  	_ =	shalt  }
0x78: {  	_ =	shalt  }
0x79: {  	_ =	shalt  }
0x7a: {  	_ =	shalt  }
0x7b: {  	_ =	shalt  }
0x7c: {  	_ =	shalt  }
0x7d: {  	_ =	shalt  }
0x7e: {  	_ =	shalt  }
0x7f: {  	_ =	shalt  }
0x80: {  	_ =	shalt  }
0x81: {  	_ =	shalt  }
0x82: {  	_ =	shalt  }
0x83: {  	_ =	shalt  }
0x84: {  	_ =	shalt  }
0x85: {  	_ =	shalt  }
0x86: {  	_ =	shalt  }
0x87: {  	_ =	shalt  }
.Lfunc_end0:
.L_simem_size_0:
called_computation.1_lowered:
.L_overlay_start_0:
0x88: {  	s2 =	sld [smem:$0x3FD9]  }
0x89: {  	s3 =	sld [smem:$0x3FFE];
	_ =	sdelay $0x1  }
0x8a: {  	s1 =	srdreg.scid  }
0x8b: {  	s0 =	sand.u32 $0x1, s1  }
0x8c: {  	s17 =	sshll.u32 s0, $0xA;
	s2 =	sadd.s32 s3, s2  }
0x8d: {  	s2 =	sadd.s32 s2, s17  }
0x8e: {  	[smem:$0x3FBE] =	sst s2  }
0x8f: {  	_ = 	snop  }
0x90: {  	(tm) =	ssettm $0x1  }
0x91: {  	s18 =	sld [smem:$0x3FFB];
	_ =	sdelay $0x3  }
0x92: {  	_ =	strace s18  }
0x93: {  	s2 =	sld [smem:$0x3FFC];
	_ =	sdelay $0x3  }
0x94: {  	_ =	strace s2  }
0x95: {  	s2 =	sld [smem:$0x3FFD];
	_ =	sdelay $0x3  }
0x96: {  	_ =	strace s2  }
0x97: {  	_ =	strace $0x8FFFFFFF  }
0x98: {  	s19 =	sld [smem:$0x3FDB];
	_ =	sdelay $0x1  }
0x99: {  	s20 =	simm.s32 $_scs_section_size  }
0x9a: {  	s4 =	simm.s32 $_size__tile_overlayer_lowered;
	s5 =	simm.s32 $_tile_overlayer_lowered  }
0x9b: {  	s6 =	simm.s32 $0x1BFF;
	s21 =	sshll.u32 s5, $0x1;
	s3 =	sadd.s32 s20, s19  }
0x9c: {  	s22 =	simm.s32 $0x0;
	s4 =	sshll.u32 s4, $0x1;
	s5 =	sadd.s32 s21, s3  }
0x9d: {  	[timem:s22], [sflag:s6] =	dma.local [hbm:s5], s4  }
0x9e: {  	_ =	swait.ge [sflag:s6], s4  }
0x9f: {  	s4 =	ssub.s32 $0x0, s4;
	[sflag:s6] =	ssyncset.done $0x0  }
0xa0: {  	[sflag:s6] =	ssyncadd.s32 s4;
	_ =	sdelay $0x1  }
0xa1: {  	s23 =	simm.s32 $0x1B8B  }
0xa2: {  	_ =	swait.ge [sflag:s23], $0x1  }
0xa3: {  	[sflag:s23] =	ssyncset.done $0x0  }
0xa4: {  	[sflag:s23] =	ssyncadd.s32 $0xFFFFFFFF  }
0xa5: {  	s4 =	sld [smem:$0x0]  }
0xa6: {  	s5 =	sand.u32 $0xFFFFFFFE, s1  }
0xa7: {  	p0 =	sne.s32 s1, s5  }
0xa8: {  	s5 =	sshll.u32 @p0 s5, $0xE  }
0xa9: {  	s5 =	sadd.s32 @p0 $0x11B8D, s5;
	s6 =	sshll.u32 @p0 s4, $0x11  }
0xaa: {  	s5 =	sor.u32 @p0 s6, s5  }
0xab: {  	[sflag:s5] =	ssyncadd.remote.s32 @p0 $0x1;
	_ =	sdelay $0x1  }
0xac: {  	s5 =	simm.s32 @p0 $0x1B8D  }
0xad: {  	_ =	swait.eq @p0 [sflag:s5], $0x1  }
0xae: {  	[sflag:s5] =	ssyncadd.s32 @p0 $0xFFFFFFFF  }
0xaf: {  	s6 =	sshll.u32 @!p0 s1, $0xE  }
0xb0: {  	s6 =	sor.u32 @!p0 $0x4000, s6;
	s5 =	simm.s32 @!p0 $0x1B8D  }
0xb1: {  	s4 =	sshll.u32 @!p0 s4, $0x11;
	s6 =	sadd.s32 @!p0 $0x11B8D, s6;
	_ =	swait.eq @!p0 [sflag:s5], $0x1  }
0xb2: {  	s4 =	sor.u32 @!p0 s4, s6;
	[sflag:s5] =	ssyncadd.s32 @!p0 $0xFFFFFFFF  }
0xb3: {  	s25 =	simm.s32 $0x1B8E;
	s24 =	sld [smem:$0x3FFE];
	[sflag:s4] =	ssyncadd.remote.s32 @!p0 $0x1  }
0xb4: {  	s26 =	simm.s32 $execute0_lowered;
	[smem:$0x3FD2] =	sst s25  }
0xb5: {  	s5 =	sshll.u32 s26, $0x1;
	_ =	strace $0x80000049;
	[dreg:$0x1] =	wrdreg $0xFFFFFFFF  }
0xb6: {  	s28 =	simm.s32 $_size_execute0_lowered;
	s3 =	sadd.s32 s3, s5;
	[dreg:$0x0] =	wrdreg $0x0  }
0xb7: {  	s5 =	sshll.u32 s28, $0x1;
	[dreg:$0x2] =	wrdreg s3  }
0xb8: {  	[dreg:$0x3] =	wrdreg s5  }
0xb9: {  	[dreg:$0x4] =	wrdreg $0xC0  }
0xba: {  	_ =	task [dreg:s22], $0x5FFFF  }
0xbb: {  	[dreg:$0x1] =	wrdreg $0xFFFFFFFF  }
0xbc: {  	[dreg:$0x0] =	wrdreg $0x60  }
0xbd: {  	[dreg:$0x2] =	wrdreg s24  }
0xbe: {  	[dreg:$0x3] =	wrdreg $0xA  }
0xbf: {  	_ =	task.clear_ibuf [dreg:s22], $0x4FFFF;
	_ =	strace $0x90000049  }
0xc0: {  	s29 =	simm.s32 $0xA;
	_ =	strace $0x8000004B  }
0xc1: {  	_ =	swait.ge [sflag:s29], $0x1  }
0xc2: {  	[sflag:s29] =	ssyncadd.s32 $0xFFFFFFFF  }
0xc3: {  	_ =	strace $0x9000004B  }
0xc4: {  	_ =	sfence  }
0xc5: {  	s30 =	sld [smem:$0x0];
	_ =	sdelay $0x2  }
0xc6: {  	s31 =	sshll.u32 s1, $0xD;
	s1 =	sshrl.u32 s1, $0x2  }
0xc7: {  	s4 =	sand.u32 $0x4000, s31;
	s1 =	sadd.s32 s1, s30  }
0xc8: {  	s0 =	sor.u32 s4, s0;
	s1 =	sshll.u32 s1, $0x11  }
0xc9: {  	s0 =	sor.u32 s1, s0  }
0xca: {  	s0 =	sadd.s32 $0x8F2B, s0  }
0xcb: {  	[sflag:s0] =	ssyncadd.remote.s32 $0x1  }
0xcc: {  	_ =	sfence.sel $0xFFFF  }
0xcd: {  	[dreg:$0x0] =	wrdreg $0xFFFFFFFF;
	(pc) =	sbr.abs _section_cstart, $3  }
0xce: {  	[dreg:$0x1] =	wrdreg $0xFFFFFFFF  }
0xcf: {  	_ =	task.clear_ibuf [dreg:s22], $0x2FFFF;
	_ =	strace $0x9FFFFFFF  }
0xd0: {  	(tm) =	ssettm $0x7FFFFFFF  }
0xd1: {  	_ =	shalt  }
tec
execute0_lowered:
.L_overlay_start_1:
0x0: {  	(tag) =	ssettag $0x1  }
0x1: {  	s1 =	srdreg.scid  }
0x2: {  	s0 =	stileid.u32;
	s23 =	sand.u32 $0x1, s1  }
0x3: {  	s31 =	sshll.u32 s0, $0xA;
	s2 =	sshll.u32 s23, $0x9  }
0x4: {  	s15 =	sor.u32 s2, s31  }
0x5: {  	s14 =	rddreg [dreg:$0x0];
	s2 =	simm.s32 $0x0;
	s3 =	sshrl.u32 s15, $0x3  }
0x6: {  	s4 =	simm.s32 $0x9;
	[smem:$0x7FF] =	sst s2;
	s3 =	sadd.s32 s3, s14  }
0x7: {  	s1 =	rddreg [dreg:$0x1];
	_ =	strace $0x8000004A;
	s3 =	sadd.s32 $0x26400, s3  }
0x8: {  	[tilespmem:s2], [sflag:$0x9] =	stream.linear.gather [hbm4b:s3+s2], $0x200, $0x38;
	[tilespmem:$0x10200] =	vst v63  }
0x9: {  	_ =	swait.ge [sflag:s4], $0x200  }
0xa: {  	s6 =	simm.s32 $0x80;
	[sflag:s4] =	ssyncset.done $0x0  }
0xb: {  	s7 =	simm.s32 $0x200;
	s5 =	sadd.s32 $0x118F400, s14;
	[sflag:s4] =	ssyncadd.s32 $0xFFFFFE00  }
0xc: {  	[tilespmem:s7], [sflag:$0x1] =	stream.indirect.gather [hbm4b:s5+s6], $0x80, s2, s6, $0xb8;
	[tilespmem:$0x10200] =	vst v63  }
0xd: {  	s8 =	simm.s32 $0x4200  }
0xe: {  	[tilespmem:s8], [sflag:$0x2] =	stream.indirect.gather [hbm4b:s5+s6], $0x80, s6, s6, $0xb8;
	[tilespmem:$0x10200] =	vst v63  }
0xf: {  	s9 =	simm.s32 $0x100;
	s10 =	simm.s32 $0x8200  }
0x10: {  	[tilespmem:s10], [sflag:$0x3] =	stream.indirect.gather [hbm4b:s5+s6], $0x80, s9, s6, $0xb8;
	[tilespmem:$0x10200] =	vst v63  }
0x11: {  	s11 =	simm.s32 $0x180;
	s12 =	simm.s32 $0xC200;
	s13 =	simm.s32 $0x1  }
0x12: {  	[tilespmem:s12], [sflag:$0x4] =	stream.indirect.gather [hbm4b:s5+s6], $0x80, s11, s6, $0xb8;
	[tilespmem:$0x10200] =	vst v63  }
0x13: {  	s15 =	sshll.u32 s15, $0x4;
	_ =	swait.ge [sflag:s13], $0x4000  }
0x14: {  	s20 =	sadd.s32 s15, s14;
	[sflag:s13] =	ssyncset.done $0x0  }
0x15: {  	s15 =	simm.s32 $0x2;
	s14 =	sadd.s32 $0xE6C00, s20;
	[sflag:s13] =	ssyncadd.s32 $0xFFFFC000  }
0x16: {  	[hbm4b:s14+s2] =	stream.linear.scatter [tilespmem:s7], [sflag:$0x5], $0x4000, $0x38;
	[tilespmem:$0x10200] =	vst v63  }
0x17: {  	_ =	swait.ge [sflag:s15], $0x4000  }
0x18: {  	[sflag:s15] =	ssyncset.done $0x0  }
0x19: {  	s17 =	simm.s32 $0x3;
	s16 =	sadd.s32 $0xE7400, s20;
	[sflag:s15] =	ssyncadd.s32 $0xFFFFC000  }
0x1a: {  	[hbm4b:s16+s2] =	stream.linear.scatter [tilespmem:s8], [sflag:$0x6], $0x4000, $0x38;
	[tilespmem:$0x10200] =	vst v63  }
0x1b: {  	_ =	swait.ge [sflag:s17], $0x4000  }
0x1c: {  	[sflag:s17] =	ssyncset.done $0x0  }
0x1d: {  	s19 =	simm.s32 $0x4;
	s18 =	sadd.s32 $0xE7C00, s20;
	[sflag:s17] =	ssyncadd.s32 $0xFFFFC000  }
0x1e: {  	[hbm4b:s18+s2] =	stream.linear.scatter [tilespmem:s10], [sflag:$0x7], $0x4000, $0x38;
	[tilespmem:$0x10200] =	vst v63  }
0x1f: {  	_ =	swait.ge [sflag:s19], $0x4000  }
0x20: {  	[sflag:s19] =	ssyncset.done $0x0  }
0x21: {  	s21 =	simm.s32 $0x5;
	s20 =	sadd.s32 $0xE8400, s20;
	[sflag:s19] =	ssyncadd.s32 $0xFFFFC000  }
0x22: {  	[hbm4b:s20+s2] =	stream.linear.scatter [tilespmem:s12], [sflag:$0x8], $0x4000, $0x38;
	[tilespmem:$0x10200] =	vst v63  }
0x23: {  	_ =	swait.ge [sflag:s21], $0x4000  }
0x24: {  	s24 =	ssub.s32 $0x2, s23;
	[sflag:s21] =	ssyncset.done $0x0  }
0x25: {  	s22 =	simm.s32 $0x6;
	s25 =	sshrl.u32 s24, $0x1;
	[sflag:s21] =	ssyncadd.s32 $0xFFFFC000  }
0x26: {  	s24 =	ssub.s32 s24, s25;
	_ =	swait.ge [sflag:s22], $0x4000  }
0x27: {  	s25 =	smax.u32 s24, $0x1;
	[sflag:s22] =	ssyncset.done $0x0  }
0x28: {  	s23 =	simm.s32 $0x7;
	p0 =	sne.s32 s25, $0x1;
	[sflag:s22] =	ssyncadd.s32 $0xFFFFC000  }
.Ltmp0:
0x29: {  	_ =	swait.ge [sflag:s23], $0x4000;
	(pc) =	sbr.rel @!p0 .LBB2_2-.Ltmp0, $4  }
0x2a: {  	[sflag:s23] =	ssyncset.done $0x0  }
0x2b: {  	s24 =	simm.s32 $0x8;
	[sflag:s23] =	ssyncadd.s32 $0xFFFFC000  }
0x2c: {  	_ =	swait.ge [sflag:s24], $0x4000  }
0x2d: {  	s25 =	sadd.s32 $0xFFFFFFFF, s25;
	[sflag:s24] =	ssyncset.done $0x0  }
.LBB2_1:
0x2e: {  	p0 =	sne.s32 s25, $0x1;
	s25 =	sadd.s32 $0xFFFFFFFF, s25;
	[sflag:s24] =	ssyncadd.s32 $0xFFFFC000  }
0x2f: {  	[tilespmem:s2], [sflag:$0x9] =	stream.linear.gather [hbm4b:s3+s2], $0x200, $0x38;
	[tilespmem:$0x10200] =	vst v63  }
0x30: {  	_ =	swait.ge [sflag:s4], $0x200  }
0x31: {  	[sflag:s4] =	ssyncset.done $0x0  }
0x32: {  	[sflag:s4] =	ssyncadd.s32 $0xFFFFFE00  }
0x33: {  	[tilespmem:s7], [sflag:$0x1] =	stream.indirect.gather [hbm4b:s5+s6], $0x80, s2, s6, $0xb8;
	[tilespmem:$0x10200] =	vst v63  }
0x34: {  	_ = 	snop  }
0x35: {  	[tilespmem:s8], [sflag:$0x2] =	stream.indirect.gather [hbm4b:s5+s6], $0x80, s6, s6, $0xb8;
	[tilespmem:$0x10200] =	vst v63  }
0x36: {  	_ = 	snop  }
0x37: {  	[tilespmem:s10], [sflag:$0x3] =	stream.indirect.gather [hbm4b:s5+s6], $0x80, s9, s6, $0xb8;
	[tilespmem:$0x10200] =	vst v63  }
0x38: {  	_ = 	snop  }
0x39: {  	[tilespmem:s12], [sflag:$0x4] =	stream.indirect.gather [hbm4b:s5+s6], $0x80, s11, s6, $0xb8;
	[tilespmem:$0x10200] =	vst v63  }
0x3a: {  	_ =	swait.ge [sflag:s13], $0x4000  }
0x3b: {  	[sflag:s13] =	ssyncset.done $0x0  }
0x3c: {  	[sflag:s13] =	ssyncadd.s32 $0xFFFFC000  }
0x3d: {  	[hbm4b:s14+s2] =	stream.linear.scatter [tilespmem:s7], [sflag:$0x5], $0x4000, $0x38;
	[tilespmem:$0x10200] =	vst v63  }
0x3e: {  	_ =	swait.ge [sflag:s15], $0x4000  }
0x3f: {  	[sflag:s15] =	ssyncset.done $0x0  }
0x40: {  	[sflag:s15] =	ssyncadd.s32 $0xFFFFC000  }
0x41: {  	[hbm4b:s16+s2] =	stream.linear.scatter [tilespmem:s8], [sflag:$0x6], $0x4000, $0x38;
	[tilespmem:$0x10200] =	vst v63  }
0x42: {  	_ =	swait.ge [sflag:s17], $0x4000  }
0x43: {  	[sflag:s17] =	ssyncset.done $0x0  }
0x44: {  	[sflag:s17] =	ssyncadd.s32 $0xFFFFC000  }
0x45: {  	[hbm4b:s18+s2] =	stream.linear.scatter [tilespmem:s10], [sflag:$0x7], $0x4000, $0x38;
	[tilespmem:$0x10200] =	vst v63  }
0x46: {  	_ =	swait.ge [sflag:s19], $0x4000  }
0x47: {  	[sflag:s19] =	ssyncset.done $0x0  }
0x48: {  	[sflag:s19] =	ssyncadd.s32 $0xFFFFC000  }
0x49: {  	[hbm4b:s20+s2] =	stream.linear.scatter [tilespmem:s12], [sflag:$0x8], $0x4000, $0x38;
	[tilespmem:$0x10200] =	vst v63  }
0x4a: {  	_ =	swait.ge [sflag:s21], $0x4000  }
0x4b: {  	[sflag:s21] =	ssyncset.done $0x0  }
0x4c: {  	[sflag:s21] =	ssyncadd.s32 $0xFFFFC000  }
0x4d: {  	_ =	swait.ge [sflag:s22], $0x4000  }
0x4e: {  	[sflag:s22] =	ssyncset.done $0x0  }
0x4f: {  	[sflag:s22] =	ssyncadd.s32 $0xFFFFC000  }
.Ltmp1:
0x50: {  	_ =	swait.ge [sflag:s23], $0x4000;
	(pc) =	sbr.rel @p0 .LBB2_1-.Ltmp1, $4  }
0x51: {  	[sflag:s23] =	ssyncset.done $0x0  }
0x52: {  	[sflag:s23] =	ssyncadd.s32 $0xFFFFC000  }
0x53: {  	_ =	swait.ge [sflag:s24], $0x4000  }
0x54: {  	[sflag:s24] =	ssyncset.done $0x0  }
.LBB2_2:
0x55: {  	[sflag:s24] =	ssyncadd.s32 $0xFFFFC000  }
0x56: {  	_ =	sfence.sel $0x180000  }
0x57: {  	[bflag:$0x0] =	sbarrier.arrive $0xFFFF  }
0x58: {  	p0 =	sne.s32 s0, $0x0;
	_ =	strace $0x9000004A  }
0x59: {  	s0 =	sadd.s32 @!p0 $0x100000, s1;
	[bflag:$0x2] =	sbarrier.arrive $0xFFFF  }
0x5a: {  	[sflag:s0] =	ssyncadd.tile.s32 @!p0 $0x1;
	_ =	shalt  }
.Lfunc_end2:
_tile_overlayer_lowered:
.L_overlay_start_2:
0x5b: {  	(tag) =	ssettag $0x2  }
0x5c: {  	s0 =	rddreg [dreg:$0x0];
	s2 =	stileid.u32  }
0x5d: {  	s1 =	rddreg [dreg:$0x1];
	p0 =	sne.s32 s2, $0x0  }
0x5e: {  	s3 =	rddreg [dreg:$0x2];
	[bflag:$0x3] =	sbarrier.arrive $0xFFFF;
	s2 =	simm.s32 @!p0 $0x1C09  }
0x5f: {  	[timem:s3], [sflag:s2] =	dma.local @!p0 [hbm:s0], s1  }
0x60: {  	s0 =	simm.s32 @!p0 $0x9  }
0x61: {  	_ =	swait.ge @!p0 [sflag:s0], s1  }
0x62: {  	s1 =	ssub.s32 @!p0 $0x0, s1;
	[sflag:s0] =	ssyncset.done @!p0 $0x0  }
0x63: {  	[sflag:s0] =	ssyncadd.s32 @!p0 s1  }
0x64: {  	[bflag:$0x3] =	sbarrier.arrive $0xFFFF  }
0x65: {  	_ =	shalt  }

</sc_bundles>
